<compile_context>
chip_gen: v7x
topology: tpu7x:2x2x1
jax: 0.10.2.dev20260603
libtpu: 0.0.44.dev20260713+nightly
codegen_flags: <defaults>
</compile_context>

<pallas_src>
import jax
import jax.numpy as jnp
from jax import lax
from jax.experimental import pallas as pl
from jax.experimental.pallas import tpu as pltpu
from jax.experimental.pallas import tpu_sc as plsc

MAX_POS = 8192
EMB_DIM = 1024
SEQ_LEN = 8192

_NUM_CORES = 2
_NUM_SUBCORES = 16
_NUM_WORKERS = _NUM_CORES * _NUM_SUBCORES
_ROWS_PER_WORKER = SEQ_LEN // _NUM_WORKERS
_NBUF = 3
_BUF_ROWS = 40
_CHUNK_SIZES = (40, 40, 40, 40, 40, 40, 16)
assert sum(_CHUNK_SIZES) == _ROWS_PER_WORKER
_NUM_CHUNKS = len(_CHUNK_SIZES)
_CHUNK_OFFS = tuple(sum(_CHUNK_SIZES[:i]) for i in range(_NUM_CHUNKS))


def _sc_gather_body(table_hbm, idx_hbm, out_hbm, idx_v, rows0, rows1, rows2,
                    gsem0, gsem1, gsem2, osem0, osem1, osem2):
    wid = lax.axis_index("s") * _NUM_CORES + lax.axis_index("c")
    base = wid * _ROWS_PER_WORKER
    pltpu.sync_copy(idx_hbm.at[pl.ds(base, _ROWS_PER_WORKER)], idx_v)

    bufs = (rows0, rows1, rows2)
    gsems = (gsem0, gsem1, gsem2)
    osems = (osem0, osem1, osem2)

    def gather(ci):
        b = ci % _NBUF
        size = _CHUNK_SIZES[ci]
        dst = bufs[b] if size == _BUF_ROWS else bufs[b].at[pl.ds(0, size)]
        return pltpu.async_copy(
            table_hbm.at[idx_v.at[pl.ds(_CHUNK_OFFS[ci], size)]],
            dst, gsems[b])

    def writeback(ci):
        b = ci % _NBUF
        size = _CHUNK_SIZES[ci]
        src = bufs[b] if size == _BUF_ROWS else bufs[b].at[pl.ds(0, size)]
        return pltpu.async_copy(
            src, out_hbm.at[pl.ds(base + _CHUNK_OFFS[ci], size)], osems[b])

    gathers = [None] * _NUM_CHUNKS
    out_copies = [None] * _NBUF
    for ci in range(min(_NBUF, _NUM_CHUNKS)):
        gathers[ci] = gather(ci)
    for ci in range(_NUM_CHUNKS):
        b = ci % _NBUF
        gathers[ci].wait()
        out_copies[b] = writeback(ci)
        nci = ci + _NBUF
        if nci < _NUM_CHUNKS:
            out_copies[b].wait()
            gathers[nci] = gather(nci)
    for ci in range(max(0, _NUM_CHUNKS - _NBUF), _NUM_CHUNKS):
        b = ci % _NBUF
        if out_copies[b] is not None:
            out_copies[b].wait()
            out_copies[b] = None


def kernel(x, pe_table, position_ids):
    del x
    idx = position_ids.reshape(SEQ_LEN).astype(jnp.int32)

    k = pl.kernel(
        _sc_gather_body,
        out_type=jax.ShapeDtypeStruct((SEQ_LEN, EMB_DIM), jnp.float32),
        mesh=plsc.VectorSubcoreMesh(core_axis_name="c", subcore_axis_name="s"),
        scratch_types=[
            pltpu.VMEM((_ROWS_PER_WORKER,), jnp.int32),
            pltpu.VMEM((_BUF_ROWS, EMB_DIM), jnp.float32),
            pltpu.VMEM((_BUF_ROWS, EMB_DIM), jnp.float32),
            pltpu.VMEM((_BUF_ROWS, EMB_DIM), jnp.float32),
            pltpu.SemaphoreType.DMA,
            pltpu.SemaphoreType.DMA,
            pltpu.SemaphoreType.DMA,
            pltpu.SemaphoreType.DMA,
            pltpu.SemaphoreType.DMA,
            pltpu.SemaphoreType.DMA,
        ],
    )
    out = k(pe_table, idx)
    return out.reshape(1, SEQ_LEN, EMB_DIM)

# --- scband reference (transcript-rebuilt; emitter-appended) ---
"""Pipeline reference for scband-learned-positional-encoding-41102837022968 (READ-ONLY COPY).

The authoritative reference and input builder live on the scoring server;
editing this copy changes nothing except your own understanding.
"""

import jax, jax.numpy as jnp
import numpy as np

MAX_POS = 8192
EMB_DIM = 1024
SEQ_LEN = 8192
BATCH = 4


def setup_inputs(seed: int = 0) -> dict:
    key = jax.random.key(seed)
    k1, k2 = jax.random.split(key)
    x = jax.random.normal(k1, (BATCH, SEQ_LEN, EMB_DIM), dtype=jnp.float32)
    # learned positional embedding table (nn.Embedding weight)
    pe_table = jax.random.normal(k2, (MAX_POS, EMB_DIM), dtype=jnp.float32) * 0.02
    # registered buffer position_ids = arange(seq_length)[None, :]
    position_ids = jnp.arange(SEQ_LEN, dtype=jnp.int32).reshape(1, SEQ_LEN)
    return {"x": x, "pe_table": pe_table, "position_ids": position_ids}


def reference(x, pe_table, position_ids):
    # position_ids provided (matches default buffer path: arange(seq_length)[None])
    ids = position_ids[:, :SEQ_LEN]
    # embedding lookup: pe(position_ids)
    position_embeddings = jnp.take(pe_table, ids, axis=0)
    return position_embeddings

if __name__ == "__main__":
    import jax
    _d = setup_inputs()
    print(jax.jit(kernel)(*tuple(_d.values())))

</pallas_src>

<mosaic_0001>
#map = affine_map<(d0, d1) -> (0, 0)>
#map1 = affine_map<(d0, d1) -> (0)>
module attributes {stable_mosaic.version = 14 : i64} {
  func.func @_sc_gather_body(%arg0: i32, %arg1: i32, %arg2: memref<8192x1024xf32, #tpu.memory_space<hbm>>, %arg3: memref<8192xi32, #tpu.memory_space<hbm>>, %arg4: memref<8192x1024xf32, #tpu.memory_space<hbm>>, %arg5: memref<256xi32, #tpu.memory_space<vmem>>, %arg6: memref<40x1024xf32, #tpu.memory_space<vmem>>, %arg7: memref<40x1024xf32, #tpu.memory_space<vmem>>, %arg8: memref<40x1024xf32, #tpu.memory_space<vmem>>, %arg9: memref<!tpu.dma_semaphore, #tpu.memory_space<semaphore_mem>>, %arg10: memref<!tpu.dma_semaphore, #tpu.memory_space<semaphore_mem>>, %arg11: memref<!tpu.dma_semaphore, #tpu.memory_space<semaphore_mem>>, %arg12: memref<!tpu.dma_semaphore, #tpu.memory_space<semaphore_mem>>, %arg13: memref<!tpu.dma_semaphore, #tpu.memory_space<semaphore_mem>>, %arg14: memref<!tpu.dma_semaphore, #tpu.memory_space<semaphore_mem>>) attributes {dimension_semantics = [#tpu.dimension_semantics<core_parallel>, #tpu.dimension_semantics<subcore_parallel>], iteration_bounds = array<i64: 2, 16>, scalar_prefetch = 0 : i64, scratch_operands = 10 : i64, tpu.core_type = #tpu.core_type<sc_vector_subcore>, window_params = [{transform_indices = #map}, {transform_indices = #map1}, {transform_indices = #map}]} {
    %mul3A = arith.constant 2 : i32
    %mul3A_0 = arith.muli %arg1, %mul3A : i32
    %add3A = arith.addi %mul3A_0, %arg0 : i32
    %mul3A_1 = arith.constant 256 : i32
    %mul3A_2 = arith.muli %add3A, %mul3A_1 : i32
    "tpu.region"() ({
      %run_scoped3A = tpu.sem_alloc : memref<!tpu.dma_semaphore, #tpu.memory_space<semaphore_mem>>
      %dma_start3A_159 = tpu.memref_slice %arg3[%mul3A_2] : memref<8192xi32, #tpu.memory_space<hbm>> -> memref<256xi32, #tpu.memory_space<hbm>>
      %dma_start3A_160 = tpu.memref_slice %arg3[%mul3A_2] : memref<8192xi32, #tpu.memory_space<hbm>> -> memref<256xi32, #tpu.memory_space<hbm>>
      tpu.enqueue_dma source(%dma_start3A_160 : memref<256xi32, #tpu.memory_space<hbm>>) target(%arg5 : memref<256xi32, #tpu.memory_space<vmem>>) target_semaphore(%run_scoped3A : memref<!tpu.dma_semaphore, #tpu.memory_space<semaphore_mem>>)
      %dma_wait3A_161 = tpu.memref_slice %arg3[%mul3A_2] : memref<8192xi32, #tpu.memory_space<hbm>> -> memref<256xi32, #tpu.memory_space<hbm>>
      %dma_wait3A_162 = tpu.memref_slice %arg3[%mul3A_2] : memref<8192xi32, #tpu.memory_space<hbm>> -> memref<256xi32, #tpu.memory_space<hbm>>
      tpu.wait_dma2 semaphore(%run_scoped3A : memref<!tpu.dma_semaphore, #tpu.memory_space<semaphore_mem>>) src(%dma_wait3A_162 : memref<256xi32, #tpu.memory_space<hbm>>) dst(%arg5 : memref<256xi32, #tpu.memory_space<vmem>>)
      tpu.yield
    }) : () -> ()
    %dma_start3A = arith.constant 0 : i32
    %dma_start3A_3 = tpu.memref_slice %arg5[%dma_start3A] : memref<256xi32, #tpu.memory_space<vmem>> -> memref<40xi32, #tpu.memory_space<vmem>>
    %dma_start3A_4 = arith.constant 0 : i32
    %dma_start3A_5 = arith.constant 0 : i32
    %dma_start3A_6 = tpu.memref_slice %arg2[%dma_start3A_4, %dma_start3A_5] : memref<8192x1024xf32, #tpu.memory_space<hbm>> -> memref<8192x1024xf32, #tpu.memory_space<hbm>>
    tpu.enqueue_indirect_dma source(%dma_start3A_6 : memref<8192x1024xf32, #tpu.memory_space<hbm>>) target(%arg6 : memref<40x1024xf32, #tpu.memory_space<vmem>>) offsets(%dma_start3A_3 : memref<40xi32, #tpu.memory_space<vmem>>) semaphore(%arg9 : memref<!tpu.dma_semaphore, #tpu.memory_space<semaphore_mem>>)
    %dma_start3A_7 = arith.constant 40 : i32
    %dma_start3A_8 = tpu.memref_slice %arg5[%dma_start3A_7] : memref<256xi32, #tpu.memory_space<vmem>> -> memref<40xi32, #tpu.memory_space<vmem>>
    %dma_start3A_9 = arith.constant 0 : i32
    %dma_start3A_10 = arith.constant 0 : i32
    %dma_start3A_11 = tpu.memref_slice %arg2[%dma_start3A_9, %dma_start3A_10] : memref<8192x1024xf32, #tpu.memory_space<hbm>> -> memref<8192x1024xf32, #tpu.memory_space<hbm>>
    tpu.enqueue_indirect_dma source(%dma_start3A_11 : memref<8192x1024xf32, #tpu.memory_space<hbm>>) target(%arg7 : memref<40x1024xf32, #tpu.memory_space<vmem>>) offsets(%dma_start3A_8 : memref<40xi32, #tpu.memory_space<vmem>>) semaphore(%arg10 : memref<!tpu.dma_semaphore, #tpu.memory_space<semaphore_mem>>)
    %dma_start3A_12 = arith.constant 80 : i32
    %dma_start3A_13 = tpu.memref_slice %arg5[%dma_start3A_12] : memref<256xi32, #tpu.memory_space<vmem>> -> memref<40xi32, #tpu.memory_space<vmem>>
    %dma_start3A_14 = arith.constant 0 : i32
    %dma_start3A_15 = arith.constant 0 : i32
    %dma_start3A_16 = tpu.memref_slice %arg2[%dma_start3A_14, %dma_start3A_15] : memref<8192x1024xf32, #tpu.memory_space<hbm>> -> memref<8192x1024xf32, #tpu.memory_space<hbm>>
    tpu.enqueue_indirect_dma source(%dma_start3A_16 : memref<8192x1024xf32, #tpu.memory_space<hbm>>) target(%arg8 : memref<40x1024xf32, #tpu.memory_space<vmem>>) offsets(%dma_start3A_13 : memref<40xi32, #tpu.memory_space<vmem>>) semaphore(%arg11 : memref<!tpu.dma_semaphore, #tpu.memory_space<semaphore_mem>>)
    %dma_wait3A = arith.constant 0 : i32
    %dma_wait3A_17 = tpu.memref_slice %arg5[%dma_wait3A] : memref<256xi32, #tpu.memory_space<vmem>> -> memref<40xi32, #tpu.memory_space<vmem>>
    %dma_wait3A_18 = arith.constant 0 : i32
    %dma_wait3A_19 = arith.constant 0 : i32
    %dma_wait3A_20 = tpu.memref_slice %arg2[%dma_wait3A_18, %dma_wait3A_19] : memref<8192x1024xf32, #tpu.memory_space<hbm>> -> memref<8192x1024xf32, #tpu.memory_space<hbm>>
    tpu.wait_indirect_dma semaphore(%arg9 : memref<!tpu.dma_semaphore, #tpu.memory_space<semaphore_mem>>) src(%dma_wait3A_20 : memref<8192x1024xf32, #tpu.memory_space<hbm>>) dst(%arg6 : memref<40x1024xf32, #tpu.memory_space<vmem>>)
    %add3A_21 = arith.constant 0 : i32
    %add3A_22 = arith.addi %mul3A_2, %add3A_21 : i32
    %dma_start3A_23 = arith.constant 0 : i32
    %dma_start3A_24 = tpu.memref_slice %arg4[%add3A_22, %dma_start3A_23] : memref<8192x1024xf32, #tpu.memory_space<hbm>> -> memref<40x1024xf32, #tpu.memory_space<hbm>>
    %dma_start3A_25 = arith.constant 0 : i32
    %dma_start3A_26 = tpu.memref_slice %arg4[%add3A_22, %dma_start3A_25] : memref<8192x1024xf32, #tpu.memory_space<hbm>> -> memref<40x1024xf32, #tpu.memory_space<hbm>>
    tpu.enqueue_dma source(%arg6 : memref<40x1024xf32, #tpu.memory_space<vmem>>) target(%dma_start3A_26 : memref<40x1024xf32, #tpu.memory_space<hbm>>) target_semaphore(%arg12 : memref<!tpu.dma_semaphore, #tpu.memory_space<semaphore_mem>>)
    %dma_wait3A_27 = arith.constant 0 : i32
    %dma_wait3A_28 = tpu.memref_slice %arg4[%add3A_22, %dma_wait3A_27] : memref<8192x1024xf32, #tpu.memory_space<hbm>> -> memref<40x1024xf32, #tpu.memory_space<hbm>>
    %dma_wait3A_29 = arith.constant 0 : i32
    %dma_wait3A_30 = tpu.memref_slice %arg4[%add3A_22, %dma_wait3A_29] : memref<8192x1024xf32, #tpu.memory_space<hbm>> -> memref<40x1024xf32, #tpu.memory_space<hbm>>
    tpu.wait_dma2 semaphore(%arg12 : memref<!tpu.dma_semaphore, #tpu.memory_space<semaphore_mem>>) src(%arg6 : memref<40x1024xf32, #tpu.memory_space<vmem>>) dst(%dma_wait3A_30 : memref<40x1024xf32, #tpu.memory_space<hbm>>)
    %dma_start3A_31 = arith.constant 120 : i32
    %dma_start3A_32 = tpu.memref_slice %arg5[%dma_start3A_31] : memref<256xi32, #tpu.memory_space<vmem>> -> memref<40xi32, #tpu.memory_space<vmem>>
    %dma_start3A_33 = arith.constant 0 : i32
    %dma_start3A_34 = arith.constant 0 : i32
    %dma_start3A_35 = tpu.memref_slice %arg2[%dma_start3A_33, %dma_start3A_34] : memref<8192x1024xf32, #tpu.memory_space<hbm>> -> memref<8192x1024xf32, #tpu.memory_space<hbm>>
    tpu.enqueue_indirect_dma source(%dma_start3A_35 : memref<8192x1024xf32, #tpu.memory_space<hbm>>) target(%arg6 : memref<40x1024xf32, #tpu.memory_space<vmem>>) offsets(%dma_start3A_32 : memref<40xi32, #tpu.memory_space<vmem>>) semaphore(%arg9 : memref<!tpu.dma_semaphore, #tpu.memory_space<semaphore_mem>>)
    %dma_wait3A_36 = arith.constant 40 : i32
    %dma_wait3A_37 = tpu.memref_slice %arg5[%dma_wait3A_36] : memref<256xi32, #tpu.memory_space<vmem>> -> memref<40xi32, #tpu.memory_space<vmem>>
    %dma_wait3A_38 = arith.constant 0 : i32
    %dma_wait3A_39 = arith.constant 0 : i32
    %dma_wait3A_40 = tpu.memref_slice %arg2[%dma_wait3A_38, %dma_wait3A_39] : memref<8192x1024xf32, #tpu.memory_space<hbm>> -> memref<8192x1024xf32, #tpu.memory_space<hbm>>
    tpu.wait_indirect_dma semaphore(%arg10 : memref<!tpu.dma_semaphore, #tpu.memory_space<semaphore_mem>>) src(%dma_wait3A_40 : memref<8192x1024xf32, #tpu.memory_space<hbm>>) dst(%arg7 : memref<40x1024xf32, #tpu.memory_space<vmem>>)
    %add3A_41 = arith.constant 40 : i32
    %add3A_42 = arith.addi %mul3A_2, %add3A_41 : i32
    %dma_start3A_43 = arith.constant 0 : i32
    %dma_start3A_44 = tpu.memref_slice %arg4[%add3A_42, %dma_start3A_43] : memref<8192x1024xf32, #tpu.memory_space<hbm>> -> memref<40x1024xf32, #tpu.memory_space<hbm>>
    %dma_start3A_45 = arith.constant 0 : i32
    %dma_start3A_46 = tpu.memref_slice %arg4[%add3A_42, %dma_start3A_45] : memref<8192x1024xf32, #tpu.memory_space<hbm>> -> memref<40x1024xf32, #tpu.memory_space<hbm>>
    tpu.enqueue_dma source(%arg7 : memref<40x1024xf32, #tpu.memory_space<vmem>>) target(%dma_start3A_46 : memref<40x1024xf32, #tpu.memory_space<hbm>>) target_semaphore(%arg13 : memref<!tpu.dma_semaphore, #tpu.memory_space<semaphore_mem>>)
    %dma_wait3A_47 = arith.constant 0 : i32
    %dma_wait3A_48 = tpu.memref_slice %arg4[%add3A_42, %dma_wait3A_47] : memref<8192x1024xf32, #tpu.memory_space<hbm>> -> memref<40x1024xf32, #tpu.memory_space<hbm>>
    %dma_wait3A_49 = arith.constant 0 : i32
    %dma_wait3A_50 = tpu.memref_slice %arg4[%add3A_42, %dma_wait3A_49] : memref<8192x1024xf32, #tpu.memory_space<hbm>> -> memref<40x1024xf32, #tpu.memory_space<hbm>>
    tpu.wait_dma2 semaphore(%arg13 : memref<!tpu.dma_semaphore, #tpu.memory_space<semaphore_mem>>) src(%arg7 : memref<40x1024xf32, #tpu.memory_space<vmem>>) dst(%dma_wait3A_50 : memref<40x1024xf32, #tpu.memory_space<hbm>>)
    %dma_start3A_51 = arith.constant 160 : i32
    %dma_start3A_52 = tpu.memref_slice %arg5[%dma_start3A_51] : memref<256xi32, #tpu.memory_space<vmem>> -> memref<40xi32, #tpu.memory_space<vmem>>
    %dma_start3A_53 = arith.constant 0 : i32
    %dma_start3A_54 = arith.constant 0 : i32
    %dma_start3A_55 = tpu.memref_slice %arg2[%dma_start3A_53, %dma_start3A_54] : memref<8192x1024xf32, #tpu.memory_space<hbm>> -> memref<8192x1024xf32, #tpu.memory_space<hbm>>
    tpu.enqueue_indirect_dma source(%dma_start3A_55 : memref<8192x1024xf32, #tpu.memory_space<hbm>>) target(%arg7 : memref<40x1024xf32, #tpu.memory_space<vmem>>) offsets(%dma_start3A_52 : memref<40xi32, #tpu.memory_space<vmem>>) semaphore(%arg10 : memref<!tpu.dma_semaphore, #tpu.memory_space<semaphore_mem>>)
    %dma_wait3A_56 = arith.constant 80 : i32
    %dma_wait3A_57 = tpu.memref_slice %arg5[%dma_wait3A_56] : memref<256xi32, #tpu.memory_space<vmem>> -> memref<40xi32, #tpu.memory_space<vmem>>
    %dma_wait3A_58 = arith.constant 0 : i32
    %dma_wait3A_59 = arith.constant 0 : i32
    %dma_wait3A_60 = tpu.memref_slice %arg2[%dma_wait3A_58, %dma_wait3A_59] : memref<8192x1024xf32, #tpu.memory_space<hbm>> -> memref<8192x1024xf32, #tpu.memory_space<hbm>>
    tpu.wait_indirect_dma semaphore(%arg11 : memref<!tpu.dma_semaphore, #tpu.memory_space<semaphore_mem>>) src(%dma_wait3A_60 : memref<8192x1024xf32, #tpu.memory_space<hbm>>) dst(%arg8 : memref<40x1024xf32, #tpu.memory_space<vmem>>)
    %add3A_61 = arith.constant 80 : i32
    %add3A_62 = arith.addi %mul3A_2, %add3A_61 : i32
    %dma_start3A_63 = arith.constant 0 : i32
    %dma_start3A_64 = tpu.memref_slice %arg4[%add3A_62, %dma_start3A_63] : memref<8192x1024xf32, #tpu.memory_space<hbm>> -> memref<40x1024xf32, #tpu.memory_space<hbm>>
    %dma_start3A_65 = arith.constant 0 : i32
    %dma_start3A_66 = tpu.memref_slice %arg4[%add3A_62, %dma_start3A_65] : memref<8192x1024xf32, #tpu.memory_space<hbm>> -> memref<40x1024xf32, #tpu.memory_space<hbm>>
    tpu.enqueue_dma source(%arg8 : memref<40x1024xf32, #tpu.memory_space<vmem>>) target(%dma_start3A_66 : memref<40x1024xf32, #tpu.memory_space<hbm>>) target_semaphore(%arg14 : memref<!tpu.dma_semaphore, #tpu.memory_space<semaphore_mem>>)
    %dma_wait3A_67 = arith.constant 0 : i32
    %dma_wait3A_68 = tpu.memref_slice %arg4[%add3A_62, %dma_wait3A_67] : memref<8192x1024xf32, #tpu.memory_space<hbm>> -> memref<40x1024xf32, #tpu.memory_space<hbm>>
    %dma_wait3A_69 = arith.constant 0 : i32
    %dma_wait3A_70 = tpu.memref_slice %arg4[%add3A_62, %dma_wait3A_69] : memref<8192x1024xf32, #tpu.memory_space<hbm>> -> memref<40x1024xf32, #tpu.memory_space<hbm>>
    tpu.wait_dma2 semaphore(%arg14 : memref<!tpu.dma_semaphore, #tpu.memory_space<semaphore_mem>>) src(%arg8 : memref<40x1024xf32, #tpu.memory_space<vmem>>) dst(%dma_wait3A_70 : memref<40x1024xf32, #tpu.memory_space<hbm>>)
    %dma_start3A_71 = arith.constant 200 : i32
    %dma_start3A_72 = tpu.memref_slice %arg5[%dma_start3A_71] : memref<256xi32, #tpu.memory_space<vmem>> -> memref<40xi32, #tpu.memory_space<vmem>>
    %dma_start3A_73 = arith.constant 0 : i32
    %dma_start3A_74 = arith.constant 0 : i32
    %dma_start3A_75 = tpu.memref_slice %arg2[%dma_start3A_73, %dma_start3A_74] : memref<8192x1024xf32, #tpu.memory_space<hbm>> -> memref<8192x1024xf32, #tpu.memory_space<hbm>>
    tpu.enqueue_indirect_dma source(%dma_start3A_75 : memref<8192x1024xf32, #tpu.memory_space<hbm>>) target(%arg8 : memref<40x1024xf32, #tpu.memory_space<vmem>>) offsets(%dma_start3A_72 : memref<40xi32, #tpu.memory_space<vmem>>) semaphore(%arg11 : memref<!tpu.dma_semaphore, #tpu.memory_space<semaphore_mem>>)
    %dma_wait3A_76 = arith.constant 120 : i32
    %dma_wait3A_77 = tpu.memref_slice %arg5[%dma_wait3A_76] : memref<256xi32, #tpu.memory_space<vmem>> -> memref<40xi32, #tpu.memory_space<vmem>>
    %dma_wait3A_78 = arith.constant 0 : i32
    %dma_wait3A_79 = arith.constant 0 : i32
    %dma_wait3A_80 = tpu.memref_slice %arg2[%dma_wait3A_78, %dma_wait3A_79] : memref<8192x1024xf32, #tpu.memory_space<hbm>> -> memref<8192x1024xf32, #tpu.memory_space<hbm>>
    tpu.wait_indirect_dma semaphore(%arg9 : memref<!tpu.dma_semaphore, #tpu.memory_space<semaphore_mem>>) src(%dma_wait3A_80 : memref<8192x1024xf32, #tpu.memory_space<hbm>>) dst(%arg6 : memref<40x1024xf32, #tpu.memory_space<vmem>>)
    %add3A_81 = arith.constant 120 : i32
    %add3A_82 = arith.addi %mul3A_2, %add3A_81 : i32
    %dma_start3A_83 = arith.constant 0 : i32
    %dma_start3A_84 = tpu.memref_slice %arg4[%add3A_82, %dma_start3A_83] : memref<8192x1024xf32, #tpu.memory_space<hbm>> -> memref<40x1024xf32, #tpu.memory_space<hbm>>
    %dma_start3A_85 = arith.constant 0 : i32
    %dma_start3A_86 = tpu.memref_slice %arg4[%add3A_82, %dma_start3A_85] : memref<8192x1024xf32, #tpu.memory_space<hbm>> -> memref<40x1024xf32, #tpu.memory_space<hbm>>
    tpu.enqueue_dma source(%arg6 : memref<40x1024xf32, #tpu.memory_space<vmem>>) target(%dma_start3A_86 : memref<40x1024xf32, #tpu.memory_space<hbm>>) target_semaphore(%arg12 : memref<!tpu.dma_semaphore, #tpu.memory_space<semaphore_mem>>)
    %dma_wait3A_87 = arith.constant 0 : i32
    %dma_wait3A_88 = tpu.memref_slice %arg4[%add3A_82, %dma_wait3A_87] : memref<8192x1024xf32, #tpu.memory_space<hbm>> -> memref<40x1024xf32, #tpu.memory_space<hbm>>
    %dma_wait3A_89 = arith.constant 0 : i32
    %dma_wait3A_90 = tpu.memref_slice %arg4[%add3A_82, %dma_wait3A_89] : memref<8192x1024xf32, #tpu.memory_space<hbm>> -> memref<40x1024xf32, #tpu.memory_space<hbm>>
    tpu.wait_dma2 semaphore(%arg12 : memref<!tpu.dma_semaphore, #tpu.memory_space<semaphore_mem>>) src(%arg6 : memref<40x1024xf32, #tpu.memory_space<vmem>>) dst(%dma_wait3A_90 : memref<40x1024xf32, #tpu.memory_space<hbm>>)
    %dma_start3A_91 = arith.constant 0 : i32
    %dma_start3A_92 = arith.constant 0 : i32
    %dma_start3A_93 = tpu.memref_slice %arg6[%dma_start3A_91, %dma_start3A_92] : memref<40x1024xf32, #tpu.memory_space<vmem>> -> memref<16x1024xf32, #tpu.memory_space<vmem>>
    %dma_start3A_94 = arith.constant 240 : i32
    %dma_start3A_95 = tpu.memref_slice %arg5[%dma_start3A_94] : memref<256xi32, #tpu.memory_space<vmem>> -> memref<16xi32, #tpu.memory_space<vmem>>
    %dma_start3A_96 = arith.constant 0 : i32
    %dma_start3A_97 = arith.constant 0 : i32
    %dma_start3A_98 = tpu.memref_slice %arg2[%dma_start3A_96, %dma_start3A_97] : memref<8192x1024xf32, #tpu.memory_space<hbm>> -> memref<8192x1024xf32, #tpu.memory_space<hbm>>
    tpu.enqueue_indirect_dma source(%dma_start3A_98 : memref<8192x1024xf32, #tpu.memory_space<hbm>>) target(%dma_start3A_93 : memref<16x1024xf32, #tpu.memory_space<vmem>>) offsets(%dma_start3A_95 : memref<16xi32, #tpu.memory_space<vmem>>) semaphore(%arg9 : memref<!tpu.dma_semaphore, #tpu.memory_space<semaphore_mem>>)
    %dma_wait3A_99 = arith.constant 160 : i32
    %dma_wait3A_100 = tpu.memref_slice %arg5[%dma_wait3A_99] : memref<256xi32, #tpu.memory_space<vmem>> -> memref<40xi32, #tpu.memory_space<vmem>>
    %dma_wait3A_101 = arith.constant 0 : i32
    %dma_wait3A_102 = arith.constant 0 : i32
    %dma_wait3A_103 = tpu.memref_slice %arg2[%dma_wait3A_101, %dma_wait3A_102] : memref<8192x1024xf32, #tpu.memory_space<hbm>> -> memref<8192x1024xf32, #tpu.memory_space<hbm>>
    tpu.wait_indirect_dma semaphore(%arg10 : memref<!tpu.dma_semaphore, #tpu.memory_space<semaphore_mem>>) src(%dma_wait3A_103 : memref<8192x1024xf32, #tpu.memory_space<hbm>>) dst(%arg7 : memref<40x1024xf32, #tpu.memory_space<vmem>>)
    %add3A_104 = arith.constant 160 : i32
    %add3A_105 = arith.addi %mul3A_2, %add3A_104 : i32
    %dma_start3A_106 = arith.constant 0 : i32
    %dma_start3A_107 = tpu.memref_slice %arg4[%add3A_105, %dma_start3A_106] : memref<8192x1024xf32, #tpu.memory_space<hbm>> -> memref<40x1024xf32, #tpu.memory_space<hbm>>
    %dma_start3A_108 = arith.constant 0 : i32
    %dma_start3A_109 = tpu.memref_slice %arg4[%add3A_105, %dma_start3A_108] : memref<8192x1024xf32, #tpu.memory_space<hbm>> -> memref<40x1024xf32, #tpu.memory_space<hbm>>
    tpu.enqueue_dma source(%arg7 : memref<40x1024xf32, #tpu.memory_space<vmem>>) target(%dma_start3A_109 : memref<40x1024xf32, #tpu.memory_space<hbm>>) target_semaphore(%arg13 : memref<!tpu.dma_semaphore, #tpu.memory_space<semaphore_mem>>)
    %dma_wait3A_110 = arith.constant 200 : i32
    %dma_wait3A_111 = tpu.memref_slice %arg5[%dma_wait3A_110] : memref<256xi32, #tpu.memory_space<vmem>> -> memref<40xi32, #tpu.memory_space<vmem>>
    %dma_wait3A_112 = arith.constant 0 : i32
    %dma_wait3A_113 = arith.constant 0 : i32
    %dma_wait3A_114 = tpu.memref_slice %arg2[%dma_wait3A_112, %dma_wait3A_113] : memref<8192x1024xf32, #tpu.memory_space<hbm>> -> memref<8192x1024xf32, #tpu.memory_space<hbm>>
    tpu.wait_indirect_dma semaphore(%arg11 : memref<!tpu.dma_semaphore, #tpu.memory_space<semaphore_mem>>) src(%dma_wait3A_114 : memref<8192x1024xf32, #tpu.memory_space<hbm>>) dst(%arg8 : memref<40x1024xf32, #tpu.memory_space<vmem>>)
    %add3A_115 = arith.constant 200 : i32
    %add3A_116 = arith.addi %mul3A_2, %add3A_115 : i32
    %dma_start3A_117 = arith.constant 0 : i32
    %dma_start3A_118 = tpu.memref_slice %arg4[%add3A_116, %dma_start3A_117] : memref<8192x1024xf32, #tpu.memory_space<hbm>> -> memref<40x1024xf32, #tpu.memory_space<hbm>>
    %dma_start3A_119 = arith.constant 0 : i32
    %dma_start3A_120 = tpu.memref_slice %arg4[%add3A_116, %dma_start3A_119] : memref<8192x1024xf32, #tpu.memory_space<hbm>> -> memref<40x1024xf32, #tpu.memory_space<hbm>>
    tpu.enqueue_dma source(%arg8 : memref<40x1024xf32, #tpu.memory_space<vmem>>) target(%dma_start3A_120 : memref<40x1024xf32, #tpu.memory_space<hbm>>) target_semaphore(%arg14 : memref<!tpu.dma_semaphore, #tpu.memory_space<semaphore_mem>>)
    %dma_wait3A_121 = arith.constant 0 : i32
    %dma_wait3A_122 = arith.constant 0 : i32
    %dma_wait3A_123 = tpu.memref_slice %arg6[%dma_wait3A_121, %dma_wait3A_122] : memref<40x1024xf32, #tpu.memory_space<vmem>> -> memref<16x1024xf32, #tpu.memory_space<vmem>>
    %dma_wait3A_124 = arith.constant 240 : i32
    %dma_wait3A_125 = tpu.memref_slice %arg5[%dma_wait3A_124] : memref<256xi32, #tpu.memory_space<vmem>> -> memref<16xi32, #tpu.memory_space<vmem>>
    %dma_wait3A_126 = arith.constant 0 : i32
    %dma_wait3A_127 = arith.constant 0 : i32
    %dma_wait3A_128 = tpu.memref_slice %arg2[%dma_wait3A_126, %dma_wait3A_127] : memref<8192x1024xf32, #tpu.memory_space<hbm>> -> memref<8192x1024xf32, #tpu.memory_space<hbm>>
    tpu.wait_indirect_dma semaphore(%arg9 : memref<!tpu.dma_semaphore, #tpu.memory_space<semaphore_mem>>) src(%dma_wait3A_128 : memref<8192x1024xf32, #tpu.memory_space<hbm>>) dst(%dma_wait3A_123 : memref<16x1024xf32, #tpu.memory_space<vmem>>)
    %add3A_129 = arith.constant 240 : i32
    %add3A_130 = arith.addi %mul3A_2, %add3A_129 : i32
    %dma_start3A_131 = arith.constant 0 : i32
    %dma_start3A_132 = arith.constant 0 : i32
    %dma_start3A_133 = tpu.memref_slice %arg6[%dma_start3A_131, %dma_start3A_132] : memref<40x1024xf32, #tpu.memory_space<vmem>> -> memref<16x1024xf32, #tpu.memory_space<vmem>>
    %dma_start3A_134 = arith.constant 0 : i32
    %dma_start3A_135 = tpu.memref_slice %arg4[%add3A_130, %dma_start3A_134] : memref<8192x1024xf32, #tpu.memory_space<hbm>> -> memref<16x1024xf32, #tpu.memory_space<hbm>>
    %dma_start3A_136 = arith.constant 0 : i32
    %dma_start3A_137 = tpu.memref_slice %arg4[%add3A_130, %dma_start3A_136] : memref<8192x1024xf32, #tpu.memory_space<hbm>> -> memref<16x1024xf32, #tpu.memory_space<hbm>>
    %dma_start3A_138 = arith.constant 0 : i32
    %dma_start3A_139 = arith.constant 0 : i32
    %dma_start3A_140 = tpu.memref_slice %arg6[%dma_start3A_138, %dma_start3A_139] : memref<40x1024xf32, #tpu.memory_space<vmem>> -> memref<16x1024xf32, #tpu.memory_space<vmem>>
    tpu.enqueue_dma source(%dma_start3A_140 : memref<16x1024xf32, #tpu.memory_space<vmem>>) target(%dma_start3A_137 : memref<16x1024xf32, #tpu.memory_space<hbm>>) target_semaphore(%arg12 : memref<!tpu.dma_semaphore, #tpu.memory_space<semaphore_mem>>)
    %dma_wait3A_141 = arith.constant 0 : i32
    %dma_wait3A_142 = tpu.memref_slice %arg4[%add3A_105, %dma_wait3A_141] : memref<8192x1024xf32, #tpu.memory_space<hbm>> -> memref<40x1024xf32, #tpu.memory_space<hbm>>
    %dma_wait3A_143 = arith.constant 0 : i32
    %dma_wait3A_144 = tpu.memref_slice %arg4[%add3A_105, %dma_wait3A_143] : memref<8192x1024xf32, #tpu.memory_space<hbm>> -> memref<40x1024xf32, #tpu.memory_space<hbm>>
    tpu.wait_dma2 semaphore(%arg13 : memref<!tpu.dma_semaphore, #tpu.memory_space<semaphore_mem>>) src(%arg7 : memref<40x1024xf32, #tpu.memory_space<vmem>>) dst(%dma_wait3A_144 : memref<40x1024xf32, #tpu.memory_space<hbm>>)
    %dma_wait3A_145 = arith.constant 0 : i32
    %dma_wait3A_146 = tpu.memref_slice %arg4[%add3A_116, %dma_wait3A_145] : memref<8192x1024xf32, #tpu.memory_space<hbm>> -> memref<40x1024xf32, #tpu.memory_space<hbm>>
    %dma_wait3A_147 = arith.constant 0 : i32
    %dma_wait3A_148 = tpu.memref_slice %arg4[%add3A_116, %dma_wait3A_147] : memref<8192x1024xf32, #tpu.memory_space<hbm>> -> memref<40x1024xf32, #tpu.memory_space<hbm>>
    tpu.wait_dma2 semaphore(%arg14 : memref<!tpu.dma_semaphore, #tpu.memory_space<semaphore_mem>>) src(%arg8 : memref<40x1024xf32, #tpu.memory_space<vmem>>) dst(%dma_wait3A_148 : memref<40x1024xf32, #tpu.memory_space<hbm>>)
    %dma_wait3A_149 = arith.constant 0 : i32
    %dma_wait3A_150 = arith.constant 0 : i32
    %dma_wait3A_151 = tpu.memref_slice %arg6[%dma_wait3A_149, %dma_wait3A_150] : memref<40x1024xf32, #tpu.memory_space<vmem>> -> memref<16x1024xf32, #tpu.memory_space<vmem>>
    %dma_wait3A_152 = arith.constant 0 : i32
    %dma_wait3A_153 = tpu.memref_slice %arg4[%add3A_130, %dma_wait3A_152] : memref<8192x1024xf32, #tpu.memory_space<hbm>> -> memref<16x1024xf32, #tpu.memory_space<hbm>>
    %dma_wait3A_154 = arith.constant 0 : i32
    %dma_wait3A_155 = tpu.memref_slice %arg4[%add3A_130, %dma_wait3A_154] : memref<8192x1024xf32, #tpu.memory_space<hbm>> -> memref<16x1024xf32, #tpu.memory_space<hbm>>
    %dma_wait3A_156 = arith.constant 0 : i32
    %dma_wait3A_157 = arith.constant 0 : i32
    %dma_wait3A_158 = tpu.memref_slice %arg6[%dma_wait3A_156, %dma_wait3A_157] : memref<40x1024xf32, #tpu.memory_space<vmem>> -> memref<16x1024xf32, #tpu.memory_space<vmem>>
    tpu.wait_dma2 semaphore(%arg12 : memref<!tpu.dma_semaphore, #tpu.memory_space<semaphore_mem>>) src(%dma_wait3A_158 : memref<16x1024xf32, #tpu.memory_space<vmem>>) dst(%dma_wait3A_155 : memref<16x1024xf32, #tpu.memory_space<hbm>>)
    return
  }
}

</mosaic_0001>

<sc_bundles>
// kernel: kernel.3.cloned.1.call-start
scs
__scs_entry_jumppad:
0x0: {  	(pc) =	sbr.rel $0x88, $3  }
0x1: {  	(tag) =	ssettag $0x0;
	lr =	simm.s32 $0x1  }
0x2: {  	[smem:$0x3F9F] =	sst lr;
	_ =	strace $0xD0000000  }
0x3: {  	_ = 	snop  }
0x4: {  	_ = 	snop  }
0x5: {  	_ = 	snop  }
0x6: {  	_ = 	snop  }
0x7: {  	_ = 	snop  }
__scs_overlays_trampoline_lowered:
0x8: {  	[smem:$0x3FAE] =	sst s0  }
0x9: {  	[smem:$0x3FAF] =	sst s1  }
0xa: {  	[smem:$0x3FB0] =	sst s2  }
0xb: {  	[smem:$0x3FB1] =	sst s3  }
0xc: {  	[smem:$0x3FB2] =	sst s4  }
0xd: {  	[smem:$0x3FB3] =	sst s5  }
0xe: {  	[smem:$0x3FB4] =	sst s6  }
0xf: {  	[smem:$0x3FB5] =	sst s7  }
0x10: {  	[smem:$0x3FB6] =	sst s8  }
0x11: {  	[smem:$0x3FB7] =	sst s9;
	s0 =	simm.s32 @!p0 $0x0  }
0x12: {  	s1 =	sld [smem:$0x3F9D];
	s0 =	simm.s32 @p0 $0x1  }
0x13: {  	[smem:$0x3FB8] =	sst s0;
	s0 =	simm.s32 @!p1 $0x0  }
0x14: {  	s2 =	sld [smem:$0x3F9C];
	s0 =	simm.s32 @p1 $0x1  }
0x15: {  	[smem:$0x3FB9] =	sst s0;
	s0 =	simm.s32 @!p2 $0x0  }
0x16: {  	s3 =	sld [smem:$0x3FDB];
	s0 =	simm.s32 @p2 $0x1  }
0x17: {  	s4 =	simm.s32 $0x1BF5;
	[smem:$0x3FBB] =	sst s0  }
0x18: {  	s0 =	sld [smem:$0x3F9E];
	_ =	swait.ge [sflag:s4], $0x0  }
0x19: {  	s7 =	sld [smem:$0x3F9F]  }
0x1a: {  	s8 =	sadd.s32 $0xFFFFE003, lr  }
0x1b: {  	s9 =	sadd.s32 $0xFFFFFEF7, lr;
	s5 =	simm.s32 $0xFFFFFFFF;
	p2 =	slt.u32 s8, $0xFFFFF086  }
0x1c: {  	p1 =	slt.u32 s9, $0xF7A;
	s5 =	simm.s32 @!p2 $0x0  }
0x1d: {  	s5 =	simm.s32 @p1 $0x1;
	p0 =	seq.s32 s7, s2  }
0x1e: {  	s7 =	smul.u32 @!p0 $0xF7A, s2;
	p2 =	seq.s32 @!p0 s5, $0x0  }
0x1f: {  	s9 =	smul.u32 $0xF7A, s1;
	s8 =	simm.s32 @!p0 $0x1BF5;
	p2 =	por !p2, p0  }
0x20: {  	[sflag:s8] =	ssyncset.s32 @!p0 $0xFFFFF086;
	s6 =	sadd.s32 @!p0 s3, s7;
	s7 =	simm.s32 @!p0 $0x108  }
0x21: {  	s3 =	sadd.s32 s3, s9;
	s6 =	sadd.s32 @!p0 $0x88, s6;
	s7 =	simm.s32 @p2 $0x1082  }
0x22: {  	[simem:s7], [sflag:s8] =	dma.local @!p0 [hbm:s6], $0xF7A  }
0x23: {  	s9 =	sor.u32 $0xD0000000, s2;
	s6 =	simm.s32 $0x108;
	_ =	swait.ge @!p0 [sflag:s8], $0x0  }
0x24: {  	s3 =	sadd.s32 $0x88, s3;
	s6 =	simm.s32 @!p1 $0x1082;
	[sflag:s4] =	ssyncset.s32 $0xFFFFF086  }
0x25: {  	[simem:s6], [sflag:s4] =	dma.local [hbm:s3], $0xF7A  }
0x26: {  	[smem:$0x3F9F] =	sst s1;
	(tag) =	ssettag s2;
	_ =	strace s9  }
0x27: {  	s1 =	sld [smem:$0x3FAF]  }
0x28: {  	s2 =	sld [smem:$0x3FB0]  }
0x29: {  	s4 =	sld [smem:$0x3FB2]  }
0x2a: {  	p0 =	seq.s32 s5, $0x0;
	s5 =	sld [smem:$0x3FB3]  }
0x2b: {  	s6 =	sld [smem:$0x3FB4]  }
0x2c: {  	s7 =	sld [smem:$0x3FB5]  }
0x2d: {  	s3 =	simm.s32 $0x108;
	s8 =	sld [smem:$0x3FB6]  }
0x2e: {  	s3 =	simm.s32 @!p0 $0x1082;
	s9 =	sld [smem:$0x3FB7]  }
0x2f: {  	lr =	sadd.s32 s0, s3;
	s0 =	sld [smem:$0x3FAE]  }
0x30: {  	s3 =	sld [smem:$0x3FB1]  }
0x31: {  	[smem:$0x3FBA] =	sst s10  }
0x32: {  	s10 =	sld [smem:$0x3FB8];
	_ =	sdelay $0x3  }
0x33: {  	p0 =	seq.s32 s10, $0x1;
	s10 =	sld [smem:$0x3FBA];
	_ =	sdelay $0x3  }
0x34: {  	[smem:$0x3FBA] =	sst s10  }
0x35: {  	s10 =	sld [smem:$0x3FB9];
	_ =	sdelay $0x3  }
0x36: {  	p1 =	seq.s32 s10, $0x1;
	s10 =	sld [smem:$0x3FBA];
	_ =	sdelay $0x3  }
0x37: {  	[smem:$0x3FBA] =	sst s10  }
0x38: {  	s10 =	sld [smem:$0x3FBB]  }
0x39: {  	_ = 	snop;
	(pc) =	sbr.ind lr, $3  }
0x3a: {  	_ = 	snop  }
0x3b: {  	_ = 	snop  }
0x3c: {  	p2 =	seq.s32 s10, $0x1;
	s10 =	sld [smem:$0x3FBA]  }
0x3d: {  	_ =	shalt  }
0x3e: {  	_ =	shalt  }
0x3f: {  	_ =	shalt  }
0x40: {  	_ =	shalt  }
0x41: {  	_ =	shalt  }
0x42: {  	_ =	shalt  }
0x43: {  	_ =	shalt  }
0x44: {  	_ =	shalt  }
0x45: {  	_ =	shalt  }
0x46: {  	_ =	shalt  }
0x47: {  	_ =	shalt  }
0x48: {  	_ =	shalt  }
0x49: {  	_ =	shalt  }
0x4a: {  	_ =	shalt  }
0x4b: {  	_ =	shalt  }
0x4c: {  	_ =	shalt  }
0x4d: {  	_ =	shalt  }
0x4e: {  	_ =	shalt  }
0x4f: {  	_ =	shalt  }
0x50: {  	_ =	shalt  }
0x51: {  	_ =	shalt  }
0x52: {  	_ =	shalt  }
0x53: {  	_ =	shalt  }
0x54: {  	_ =	shalt  }
0x55: {  	_ =	shalt  }
0x56: {  	_ =	shalt  }
0x57: {  	_ =	shalt  }
0x58: {  	_ =	shalt  }
0x59: {  	_ =	shalt  }
0x5a: {  	_ =	shalt  }
0x5b: {  	_ =	shalt  }
0x5c: {  	_ =	shalt  }
0x5d: {  	_ =	shalt  }
0x5e: {  	_ =	shalt  }
0x5f: {  	_ =	shalt  }
0x60: {  	_ =	shalt  }
0x61: {  	_ =	shalt  }
0x62: {  	_ =	shalt  }
0x63: {  	_ =	shalt  }
0x64: {  	_ =	shalt  }
0x65: {  	_ =	shalt  }
0x66: {  	_ =	shalt  }
0x67: {  	_ =	shalt  }
0x68: {  	_ =	shalt  }
0x69: {  	_ =	shalt  }
0x6a: {  	_ =	shalt  }
0x6b: {  	_ =	shalt  }
0x6c: {  	_ =	shalt  }
0x6d: {  	_ =	shalt  }
0x6e: {  	_ =	shalt  }
0x6f: {  	_ =	shalt  }
0x70: {  	_ =	shalt  }
0x71: {  	_ =	shalt  }
0x72: {  	_ =	shalt  }
0x73: {  	_ =	shalt  }
0x74: {  	_ =	shalt  }
0x75: {  	_ =	shalt  }
0x76: {  	_ =	shalt  }
0x77: {  	_ =	shalt  }
0x78: {  	_ =	shalt  }
0x79: {  	_ =	shalt  }
0x7a: {  	_ =	shalt  }
0x7b: {  	_ =	shalt  }
0x7c: {  	_ =	shalt  }
0x7d: {  	_ =	shalt  }
0x7e: {  	_ =	shalt  }
0x7f: {  	_ =	shalt  }
0x80: {  	_ =	shalt  }
0x81: {  	_ =	shalt  }
0x82: {  	_ =	shalt  }
0x83: {  	_ =	shalt  }
0x84: {  	_ =	shalt  }
0x85: {  	_ =	shalt  }
0x86: {  	_ =	shalt  }
0x87: {  	_ =	shalt  }
.Lfunc_end0:
.L_simem_size_0:
called_computation_lowered:
.L_overlay_start_0:
0x88: {  	s2 =	sld [smem:$0x3FD9]  }
0x89: {  	s3 =	sld [smem:$0x3FFE];
	_ =	sdelay $0x1  }
0x8a: {  	s1 =	srdreg.scid  }
0x8b: {  	s0 =	sand.u32 $0x1, s1  }
0x8c: {  	s18 =	sshll.u32 s0, $0xA;
	s2 =	sadd.s32 s3, s2  }
0x8d: {  	s2 =	sadd.s32 s2, s18  }
0x8e: {  	[smem:$0x3FC6] =	sst s2  }
0x8f: {  	_ = 	snop  }
0x90: {  	s2 =	sld [smem:$0x3FC9]  }
0x91: {  	s19 =	sld [smem:$0x3FC8]  }
0x92: {  	s4 =	sld [smem:$0x3FD0];
	(tm) =	ssettm $0x1  }
0x93: {  	s5 =	sld [smem:$0x3FFB];
	_ =	sdelay $0x3  }
0x94: {  	_ =	strace s5  }
0x95: {  	s5 =	sld [smem:$0x3FFC];
	_ =	sdelay $0x3  }
0x96: {  	_ =	strace s5  }
0x97: {  	s5 =	sld [smem:$0x3FFD];
	_ =	sdelay $0x3  }
0x98: {  	_ =	strace s5  }
0x99: {  	_ =	strace $0x8FFFFFFF  }
0x9a: {  	s20 =	sld [smem:$0x3FDB];
	_ =	sdelay $0x1  }
0x9b: {  	s6 =	simm.s32 $_scs_section_size  }
0x9c: {  	s7 =	simm.s32 $_size__tile_overlayer_lowered;
	s8 =	simm.s32 $_tile_overlayer_lowered  }
0x9d: {  	s23 =	simm.s32 $0x1BFF;
	s22 =	sshll.u32 s8, $0x1;
	s5 =	sadd.s32 s6, s20  }
0x9e: {  	s9 =	simm.s32 $0x0;
	s21 =	sshll.u32 s7, $0x1;
	s7 =	sadd.s32 s22, s5  }
0x9f: {  	[timem:s9], [sflag:s23] =	dma.local [hbm:s7], s21  }
0xa0: {  	_ =	swait.ge [sflag:s23], s21  }
0xa1: {  	s6 =	ssub.s32 $0x0, s21;
	[sflag:s23] =	ssyncset.done $0x0  }
0xa2: {  	[sflag:s23] =	ssyncadd.s32 s6;
	_ =	sdelay $0x1  }
0xa3: {  	s24 =	simm.s32 $0x1B8B  }
0xa4: {  	_ =	swait.ge [sflag:s24], $0x1  }
0xa5: {  	[sflag:s24] =	ssyncset.done $0x0  }
0xa6: {  	s25 =	simm.s32 $0x1B8E;
	[sflag:s24] =	ssyncadd.s32 $0xFFFFFFFF  }
0xa7: {  	s26 =	simm.s32 $execute0_lowered;
	[smem:$0x3FD2] =	sst s25  }
0xa8: {  	s6 =	sshll.u32 s26, $0x1;
	_ =	strace $0x80000046;
	[dreg:$0x1] =	wrdreg $0xFFFFFFFF  }
0xa9: {  	s28 =	simm.s32 $_size_execute0_lowered;
	s5 =	sadd.s32 s5, s6;
	[dreg:$0x0] =	wrdreg $0x0  }
0xaa: {  	s6 =	sshll.u32 s28, $0x1;
	[dreg:$0x2] =	wrdreg s5  }
0xab: {  	[dreg:$0x3] =	wrdreg s6  }
0xac: {  	[dreg:$0x4] =	wrdreg $0xC0  }
0xad: {  	_ =	task [dreg:s9], $0x5FFFF  }
0xae: {  	[dreg:$0x1] =	wrdreg $0xFFFFFFFF  }
0xaf: {  	[dreg:$0x0] =	wrdreg $0x60  }
0xb0: {  	[dreg:$0x2] =	wrdreg s2  }
0xb1: {  	[dreg:$0x3] =	wrdreg s19  }
0xb2: {  	[dreg:$0x4] =	wrdreg s4  }
0xb3: {  	[dreg:$0x5] =	wrdreg $0x9  }
0xb4: {  	_ =	task.clear_ibuf [dreg:s9], $0x6FFFF;
	_ =	strace $0x90000046  }
0xb5: {  	s29 =	simm.s32 $0x9;
	_ =	strace $0x80000048  }
0xb6: {  	_ =	swait.ge [sflag:s29], $0x1  }
0xb7: {  	[sflag:s29] =	ssyncadd.s32 $0xFFFFFFFF  }
0xb8: {  	_ =	strace $0x90000048  }
0xb9: {  	_ =	sfence  }
0xba: {  	s30 =	sld [smem:$0x0];
	_ =	sdelay $0x2  }
0xbb: {  	s31 =	sshll.u32 s1, $0xD;
	s1 =	sshrl.u32 s1, $0x2  }
0xbc: {  	s3 =	sand.u32 $0x4000, s31;
	s1 =	sadd.s32 s1, s30  }
0xbd: {  	s0 =	sor.u32 s3, s0;
	s1 =	sshll.u32 s1, $0x11  }
0xbe: {  	s0 =	sor.u32 s1, s0  }
0xbf: {  	s0 =	sadd.s32 $0x8F2B, s0  }
0xc0: {  	[sflag:s0] =	ssyncadd.remote.s32 $0x1  }
0xc1: {  	_ =	sfence.sel $0xFFFF  }
0xc2: {  	[dreg:$0x0] =	wrdreg $0xFFFFFFFF;
	(pc) =	sbr.abs _section_cstart, $3  }
0xc3: {  	[dreg:$0x1] =	wrdreg $0xFFFFFFFF  }
0xc4: {  	_ =	task.clear_ibuf [dreg:s9], $0x2FFFF;
	_ =	strace $0x9FFFFFFF  }
0xc5: {  	(tm) =	ssettm $0x7FFFFFFF  }
tec
execute0_lowered:
.L_overlay_start_1:
0x0: {  	(tag) =	ssettag $0x1  }
0x1: {  	s1 =	rddreg [dreg:$0x0]  }
0x2: {  	s0 =	srdreg.scid;
	s2 =	rddreg [dreg:$0x1]  }
0x3: {  	s3 =	stileid.u32;
	s4 =	rddreg [dreg:$0x2]  }
0x4: {  	s29 =	simm.s32 $0x1;
	s30 =	simm.s32 $0x4;
	s28 =	simm.s32 $0x7100  }
0x5: {  	s14 =	simm.s32 $0xA900;
	s15 =	simm.s32 $0xB100;
	s16 =	simm.s32 $0xB900  }
0x6: {  	s17 =	simm.s32 $0xC100;
	s31 =	simm.s32 $0xC900;
	s0 =	sand.u32 $0x1, s0  }
0x7: {  	s18 =	simm.s32 $0xD900;
	s5 =	sshll.u32 s3, $0x9;
	s6 =	sshll.u32 s0, $0x8  }
0x8: {  	s19 =	simm.s32 $0xE100;
	s13 =	simm.s32 $0xE900;
	s5 =	sor.u32 s6, s5  }
0x9: {  	s3 =	simm.s32 $0x0;
	s7 =	sadd.s32 $0x300, s1;
	s6 =	sshrl.u32 s5, $0x3  }
0xa: {  	[smem:$0x7FF] =	sst s3;
	s5 =	sshll.u32 s5, $0x7;
	s2 =	sadd.s32 s2, s6  }
0xb: {  	_ =	strace $0x80000047;
	s4 =	sadd.s32 s4, s5;
	[dreg:$0x4] =	wrdreg s2  }
0xc: {  	s0 =	ssub.s32 $0x2, s0;
	s20 =	sadd.s32 $0x1400, s4;
	[dreg:$0xb] =	wrdreg s4  }
0xd: {  	s21 =	sshrl.u32 s0, $0x1;
	s22 =	sadd.s32 $0x2800, s4;
	[dreg:$0x5] =	wrdreg s20  }
0xe: {  	s0 =	ssub.s32 s0, s21;
	s23 =	sadd.s32 $0x3C00, s4;
	[dreg:$0x6] =	wrdreg s22  }
0xf: {  	s5 =	sadd.s32 $0x100, s1;
	s24 =	sadd.s32 $0x5000, s4;
	[dreg:$0x7] =	wrdreg s23  }
0x10: {  	s6 =	sadd.s32 $0x200, s1;
	s25 =	sadd.s32 $0x6400, s4;
	[dreg:$0x8] =	wrdreg s24  }
0x11: {  	v2 =	vlaneseq.u32;
	s8 =	smax.u32 s0, $0x1;
	s26 =	sadd.s32 $0x7800, s4;
	[dreg:$0x9] =	wrdreg s25  }
0x12: {  	vm0 =	vmmov $0xffff;
	v1 =	vshrl.u32 v2, $0x3;
	s2 =	simm.s32 $0x100;
	[dreg:$0xa] =	wrdreg s26;
	s22 =	simm.s32 $0x4900  }
0x13: {  	v0 =	vand.u32 $0x7, v2;
	v2 =	vor.u32 $0x8, v2;
	v1 =	vmul.u32 $0x8, v1;
	s23 =	simm.s32 $0x5100;
	s24 =	simm.s32 $0x5900;
	s26 =	simm.s32 $0x6900  }
.LBB2_1:
0x14: {  	s20 =	rddreg [dreg:$0x4];
	s4 =	simm.s32 $0x7  }
0x15: {  	[tilespmem:s3], [sflag:$0x7] =	stream.linear.gather [hbm4b:s20+s3], $0x100, $0x38;
	[tilespmem:$0x1E100] =	vst v63  }
0x16: {  	_ =	swait.ge [sflag:s4], $0x100  }
0x17: {  	[sflag:s4] =	ssyncset.done $0x0  }
0x18: {  	[sflag:s4] =	ssyncadd.s32 $0xFFFFFF00  }
0x19: {  	v3 =	vld [tilespmem:$0x0];
	_ =	sdelay $0x4  }
0x1a: {  	v4 =	vshll.u32 v3, $0x3  }
0x1b: {  	v3 =	vand.u32 $0x7, v3;
	v4 =	vand.u32 $0xFFFFFFC0, v4  }
0x1c: {  	v3 =	vor.u32 v3, v4  }
0x1d: {  	v4 =	vperm.xlane v3, v0;
	_ =	sdelay $0x1  }
0x1e: {  	v4 =	vadd.s32 v1, v4;
	_ =	sdelay $0x4  }
0x1f: {  	[tilespmem:s2], [sflag:$0x1] =	stream.indirect_vreg.gather [hbm4b:s1+s3], $0x80, v4, vm0, $0xb8;
	[tilespmem:$0x1E100] =	vst v63  }
0x20: {  	s0 =	simm.s32 $0x900;
	v3 =	vperm.xlane v3, v2  }
0x21: {  	[tilespmem:s0], [sflag:$0x1] =	stream.indirect_vreg.gather [hbm4b:s5+s3], $0x80, v4, vm0, $0xb8;
	[tilespmem:$0x1E100] =	vst v63  }
0x22: {  	s9 =	simm.s32 $0x1100;
	v3 =	vadd.s32 v1, v3  }
0x23: {  	[tilespmem:s9], [sflag:$0x1] =	stream.indirect_vreg.gather [hbm4b:s6+s3], $0x80, v4, vm0, $0xb8;
	[tilespmem:$0x1E100] =	vst v63  }
0x24: {  	s10 =	simm.s32 $0x1900  }
0x25: {  	[tilespmem:s10], [sflag:$0x1] =	stream.indirect_vreg.gather [hbm4b:s7+s3], $0x80, v4, vm0, $0xb8;
	[tilespmem:$0x1E100] =	vst v63  }
0x26: {  	s11 =	simm.s32 $0x2100  }
0x27: {  	[tilespmem:s11], [sflag:$0x1] =	stream.indirect_vreg.gather [hbm4b:s1+s3], $0x80, v3, vm0, $0xb8;
	[tilespmem:$0x1E100] =	vst v63  }
0x28: {  	s12 =	simm.s32 $0x2900  }
0x29: {  	[tilespmem:s12], [sflag:$0x1] =	stream.indirect_vreg.gather [hbm4b:s5+s3], $0x80, v3, vm0, $0xb8;
	[tilespmem:$0x1E100] =	vst v63  }
0x2a: {  	s20 =	simm.s32 $0x3100  }
0x2b: {  	[tilespmem:s20], [sflag:$0x1] =	stream.indirect_vreg.gather [hbm4b:s6+s3], $0x80, v3, vm0, $0xb8;
	[tilespmem:$0x1E100] =	vst v63  }
0x2c: {  	s21 =	simm.s32 $0x3900  }
0x2d: {  	[tilespmem:s21], [sflag:$0x1] =	stream.indirect_vreg.gather [hbm4b:s7+s3], $0x80, v3, vm0, $0xb8;
	[tilespmem:$0x1E100] =	vst v63  }
0x2e: {  	v3 =	vld [tilespmem:$0x10];
	_ =	sdelay $0x4  }
0x2f: {  	v46 =	vshll.u32 v3, $0x3  }
0x30: {  	v3 =	vand.u32 $0x7, v3;
	v4 =	vand.u32 $0xFFFFFFC0, v46  }
0x31: {  	v3 =	vor.u32 v3, v4  }
0x32: {  	v4 =	vperm.xlane v3, v0;
	_ =	sdelay $0x1  }
0x33: {  	v4 =	vadd.s32 v1, v4;
	_ =	sdelay $0x3  }
0x34: {  	s20 =	simm.s32 $0x4100  }
0x35: {  	[tilespmem:s20], [sflag:$0x1] =	stream.indirect_vreg.gather [hbm4b:s1+s3], $0x80, v4, vm0, $0xb8;
	[tilespmem:$0x1E100] =	vst v63  }
0x36: {  	v3 =	vperm.xlane v3, v2  }
0x37: {  	[tilespmem:s22], [sflag:$0x1] =	stream.indirect_vreg.gather [hbm4b:s5+s3], $0x80, v4, vm0, $0xb8;
	[tilespmem:$0x1E100] =	vst v63  }
0x38: {  	v3 =	vadd.s32 v1, v3  }
0x39: {  	[tilespmem:s23], [sflag:$0x1] =	stream.indirect_vreg.gather [hbm4b:s6+s3], $0x80, v4, vm0, $0xb8;
	[tilespmem:$0x1E100] =	vst v63  }
0x3a: {  	_ = 	snop  }
0x3b: {  	[tilespmem:s24], [sflag:$0x1] =	stream.indirect_vreg.gather [hbm4b:s7+s3], $0x80, v4, vm0, $0xb8;
	[tilespmem:$0x1E100] =	vst v63  }
0x3c: {  	s4 =	simm.s32 $0x6100  }
0x3d: {  	[tilespmem:s4], [sflag:$0x1] =	stream.indirect_vreg.gather [hbm4b:s1+s3], $0x80, v3, vm0, $0xb8;
	[tilespmem:$0x1E100] =	vst v63  }
0x3e: {  	_ = 	snop  }
0x3f: {  	[tilespmem:s26], [sflag:$0x1] =	stream.indirect_vreg.gather [hbm4b:s5+s3], $0x80, v3, vm0, $0xb8;
	[tilespmem:$0x1E100] =	vst v63  }
0x40: {  	_ = 	snop  }
0x41: {  	[tilespmem:s28], [sflag:$0x1] =	stream.indirect_vreg.gather [hbm4b:s6+s3], $0x80, v3, vm0, $0xb8;
	[tilespmem:$0x1E100] =	vst v63  }
0x42: {  	s9 =	simm.s32 $0x7900  }
0x43: {  	[tilespmem:s9], [sflag:$0x1] =	stream.indirect_vreg.gather [hbm4b:s7+s3], $0x80, v3, vm0, $0xb8;
	[tilespmem:$0x1E100] =	vst v63  }
0x44: {  	v3 =	vld.msk [tilespmem:$0x20], $0xff;
	_ =	sdelay $0x4  }
0x45: {  	v47 =	vshll.u32 v3, $0x3  }
0x46: {  	v3 =	vand.u32 $0x7, v3;
	v4 =	vand.u32 $0xFFFFFFC0, v47  }
0x47: {  	v3 =	vor.u32 v3, v4  }
0x48: {  	v3 =	vperm.xlane v3, v0;
	_ =	sdelay $0x1  }
0x49: {  	v3 =	vadd.s32 v1, v3;
	_ =	sdelay $0x3  }
0x4a: {  	s11 =	simm.s32 $0x8100  }
0x4b: {  	[tilespmem:s11], [sflag:$0x1] =	stream.indirect_vreg.gather [hbm4b:s1+s3], $0x80, v3, vm0, $0xb8;
	[tilespmem:$0x1E100] =	vst v63  }
0x4c: {  	s21 =	simm.s32 $0x8900  }
0x4d: {  	[tilespmem:s21], [sflag:$0x1] =	stream.indirect_vreg.gather [hbm4b:s5+s3], $0x80, v3, vm0, $0xb8;
	[tilespmem:$0x1E100] =	vst v63  }
0x4e: {  	s10 =	simm.s32 $0x9100  }
0x4f: {  	[tilespmem:s10], [sflag:$0x1] =	stream.indirect_vreg.gather [hbm4b:s6+s3], $0x80, v3, vm0, $0xb8;
	[tilespmem:$0x1E100] =	vst v63  }
0x50: {  	s12 =	simm.s32 $0x9900  }
0x51: {  	[tilespmem:s12], [sflag:$0x1] =	stream.indirect_vreg.gather [hbm4b:s7+s3], $0x80, v3, vm0, $0xb8;
	[tilespmem:$0x1E100] =	vst v63  }
0x52: {  	v3 =	vld [tilespmem:$0x28];
	_ =	sdelay $0x4  }
0x53: {  	v48 =	vshll.u32 v3, $0x3  }
0x54: {  	v3 =	vand.u32 $0x7, v3;
	v4 =	vand.u32 $0xFFFFFFC0, v48  }
0x55: {  	v3 =	vor.u32 v3, v4  }
0x56: {  	v4 =	vperm.xlane v3, v0;
	_ =	sdelay $0x1  }
0x57: {  	v4 =	vadd.s32 v1, v4;
	_ =	sdelay $0x3  }
0x58: {  	s25 =	simm.s32 $0xA100  }
0x59: {  	[tilespmem:s25], [sflag:$0x2] =	stream.indirect_vreg.gather [hbm4b:s1+s3], $0x80, v4, vm0, $0xb8;
	[tilespmem:$0x1E100] =	vst v63  }
0x5a: {  	v3 =	vperm.xlane v3, v2  }
0x5b: {  	[tilespmem:s14], [sflag:$0x2] =	stream.indirect_vreg.gather [hbm4b:s5+s3], $0x80, v4, vm0, $0xb8;
	[tilespmem:$0x1E100] =	vst v63  }
0x5c: {  	v3 =	vadd.s32 v1, v3  }
0x5d: {  	[tilespmem:s15], [sflag:$0x2] =	stream.indirect_vreg.gather [hbm4b:s6+s3], $0x80, v4, vm0, $0xb8;
	[tilespmem:$0x1E100] =	vst v63  }
0x5e: {  	_ = 	snop  }
0x5f: {  	[tilespmem:s16], [sflag:$0x2] =	stream.indirect_vreg.gather [hbm4b:s7+s3], $0x80, v4, vm0, $0xb8;
	[tilespmem:$0x1E100] =	vst v63  }
0x60: {  	_ = 	snop  }
0x61: {  	[tilespmem:s17], [sflag:$0x2] =	stream.indirect_vreg.gather [hbm4b:s1+s3], $0x80, v3, vm0, $0xb8;
	[tilespmem:$0x1E100] =	vst v63  }
0x62: {  	_ = 	snop  }
0x63: {  	[tilespmem:s31], [sflag:$0x2] =	stream.indirect_vreg.gather [hbm4b:s5+s3], $0x80, v3, vm0, $0xb8;
	[tilespmem:$0x1E100] =	vst v63  }
0x64: {  	s25 =	simm.s32 $0xD100  }
0x65: {  	[tilespmem:s25], [sflag:$0x2] =	stream.indirect_vreg.gather [hbm4b:s6+s3], $0x80, v3, vm0, $0xb8;
	[tilespmem:$0x1E100] =	vst v63  }
0x66: {  	_ = 	snop  }
0x67: {  	[tilespmem:s18], [sflag:$0x2] =	stream.indirect_vreg.gather [hbm4b:s7+s3], $0x80, v3, vm0, $0xb8;
	[tilespmem:$0x1E100] =	vst v63  }
0x68: {  	v3 =	vld [tilespmem:$0x38];
	_ =	sdelay $0x4  }
0x69: {  	v49 =	vshll.u32 v3, $0x3  }
0x6a: {  	v3 =	vand.u32 $0x7, v3;
	v4 =	vand.u32 $0xFFFFFFC0, v49  }
0x6b: {  	v3 =	vor.u32 v3, v4  }
0x6c: {  	v4 =	vperm.xlane v3, v0;
	_ =	sdelay $0x1  }
0x6d: {  	v4 =	vadd.s32 v1, v4;
	_ =	sdelay $0x4  }
0x6e: {  	[tilespmem:s19], [sflag:$0x2] =	stream.indirect_vreg.gather [hbm4b:s1+s3], $0x80, v4, vm0, $0xb8;
	[tilespmem:$0x1E100] =	vst v63  }
0x6f: {  	v3 =	vperm.xlane v3, v2  }
0x70: {  	[tilespmem:s13], [sflag:$0x2] =	stream.indirect_vreg.gather [hbm4b:s5+s3], $0x80, v4, vm0, $0xb8;
	[tilespmem:$0x1E100] =	vst v63  }
0x71: {  	s25 =	simm.s32 $0xF100;
	v3 =	vadd.s32 v1, v3  }
0x72: {  	[tilespmem:s25], [sflag:$0x2] =	stream.indirect_vreg.gather [hbm4b:s6+s3], $0x80, v4, vm0, $0xb8;
	[tilespmem:$0x1E100] =	vst v63  }
0x73: {  	s25 =	simm.s32 $0xF900  }
0x74: {  	[tilespmem:s25], [sflag:$0x2] =	stream.indirect_vreg.gather [hbm4b:s7+s3], $0x80, v4, vm0, $0xb8;
	[tilespmem:$0x1E100] =	vst v63  }
0x75: {  	s25 =	simm.s32 $0x10100  }
0x76: {  	[tilespmem:s25], [sflag:$0x2] =	stream.indirect_vreg.gather [hbm4b:s1+s3], $0x80, v3, vm0, $0xb8;
	[tilespmem:$0x1E100] =	vst v63  }
0x77: {  	s25 =	simm.s32 $0x10900  }
0x78: {  	[tilespmem:s25], [sflag:$0x2] =	stream.indirect_vreg.gather [hbm4b:s5+s3], $0x80, v3, vm0, $0xb8;
	[tilespmem:$0x1E100] =	vst v63  }
0x79: {  	s25 =	simm.s32 $0x11100  }
0x7a: {  	[tilespmem:s25], [sflag:$0x2] =	stream.indirect_vreg.gather [hbm4b:s6+s3], $0x80, v3, vm0, $0xb8;
	[tilespmem:$0x1E100] =	vst v63  }
0x7b: {  	s25 =	simm.s32 $0x11900  }
0x7c: {  	[tilespmem:s25], [sflag:$0x2] =	stream.indirect_vreg.gather [hbm4b:s7+s3], $0x80, v3, vm0, $0xb8;
	[tilespmem:$0x1E100] =	vst v63  }
0x7d: {  	v3 =	vld.msk [tilespmem:$0x48], $0xff;
	_ =	sdelay $0x4  }
0x7e: {  	v50 =	vshll.u32 v3, $0x3  }
0x7f: {  	v3 =	vand.u32 $0x7, v3;
	v4 =	vand.u32 $0xFFFFFFC0, v50  }
0x80: {  	v3 =	vor.u32 v3, v4  }
0x81: {  	v3 =	vperm.xlane v3, v0;
	_ =	sdelay $0x1  }
0x82: {  	v3 =	vadd.s32 v1, v3;
	_ =	sdelay $0x3  }
0x83: {  	s25 =	simm.s32 $0x12100  }
0x84: {  	[tilespmem:s25], [sflag:$0x2] =	stream.indirect_vreg.gather [hbm4b:s1+s3], $0x80, v3, vm0, $0xb8;
	[tilespmem:$0x1E100] =	vst v63  }
0x85: {  	s25 =	simm.s32 $0x12900  }
0x86: {  	[tilespmem:s25], [sflag:$0x2] =	stream.indirect_vreg.gather [hbm4b:s5+s3], $0x80, v3, vm0, $0xb8;
	[tilespmem:$0x1E100] =	vst v63  }
0x87: {  	s25 =	simm.s32 $0x13100  }
0x88: {  	[tilespmem:s25], [sflag:$0x2] =	stream.indirect_vreg.gather [hbm4b:s6+s3], $0x80, v3, vm0, $0xb8;
	[tilespmem:$0x1E100] =	vst v63  }
0x89: {  	s25 =	simm.s32 $0x13900  }
0x8a: {  	[tilespmem:s25], [sflag:$0x2] =	stream.indirect_vreg.gather [hbm4b:s7+s3], $0x80, v3, vm0, $0xb8;
	[tilespmem:$0x1E100] =	vst v63  }
0x8b: {  	v3 =	vld [tilespmem:$0x50];
	_ =	sdelay $0x4  }
0x8c: {  	v51 =	vshll.u32 v3, $0x3  }
0x8d: {  	v3 =	vand.u32 $0x7, v3;
	v4 =	vand.u32 $0xFFFFFFC0, v51  }
0x8e: {  	v3 =	vor.u32 v3, v4  }
0x8f: {  	v4 =	vperm.xlane v3, v0;
	_ =	sdelay $0x1  }
0x90: {  	v4 =	vadd.s32 v1, v4;
	_ =	sdelay $0x3  }
0x91: {  	s0 =	simm.s32 $0x14100  }
0x92: {  	[tilespmem:s0], [sflag:$0x3] =	stream.indirect_vreg.gather [hbm4b:s1+s3], $0x80, v4, vm0, $0xb8;
	[tilespmem:$0x1E100] =	vst v63  }
0x93: {  	s25 =	simm.s32 $0x14900;
	v3 =	vperm.xlane v3, v2  }
0x94: {  	[tilespmem:s25], [sflag:$0x3] =	stream.indirect_vreg.gather [hbm4b:s5+s3], $0x80, v4, vm0, $0xb8;
	[tilespmem:$0x1E100] =	vst v63  }
0x95: {  	v3 =	vadd.s32 v1, v3;
	s25 =	simm.s32 $0x15100  }
0x96: {  	[tilespmem:s25], [sflag:$0x3] =	stream.indirect_vreg.gather [hbm4b:s6+s3], $0x80, v4, vm0, $0xb8;
	[tilespmem:$0x1E100] =	vst v63  }
0x97: {  	s25 =	simm.s32 $0x15900  }
0x98: {  	[tilespmem:s25], [sflag:$0x3] =	stream.indirect_vreg.gather [hbm4b:s7+s3], $0x80, v4, vm0, $0xb8;
	[tilespmem:$0x1E100] =	vst v63  }
0x99: {  	s25 =	simm.s32 $0x16100  }
0x9a: {  	[tilespmem:s25], [sflag:$0x3] =	stream.indirect_vreg.gather [hbm4b:s1+s3], $0x80, v3, vm0, $0xb8;
	[tilespmem:$0x1E100] =	vst v63  }
0x9b: {  	s25 =	simm.s32 $0x16900  }
0x9c: {  	[tilespmem:s25], [sflag:$0x3] =	stream.indirect_vreg.gather [hbm4b:s5+s3], $0x80, v3, vm0, $0xb8;
	[tilespmem:$0x1E100] =	vst v63  }
0x9d: {  	s25 =	simm.s32 $0x17100  }
0x9e: {  	[tilespmem:s25], [sflag:$0x3] =	stream.indirect_vreg.gather [hbm4b:s6+s3], $0x80, v3, vm0, $0xb8;
	[tilespmem:$0x1E100] =	vst v63  }
0x9f: {  	s25 =	simm.s32 $0x17900  }
0xa0: {  	[tilespmem:s25], [sflag:$0x3] =	stream.indirect_vreg.gather [hbm4b:s7+s3], $0x80, v3, vm0, $0xb8;
	[tilespmem:$0x1E100] =	vst v63  }
0xa1: {  	v3 =	vld [tilespmem:$0x60];
	_ =	sdelay $0x4  }
0xa2: {  	v52 =	vshll.u32 v3, $0x3  }
0xa3: {  	v3 =	vand.u32 $0x7, v3;
	v4 =	vand.u32 $0xFFFFFFC0, v52  }
0xa4: {  	v3 =	vor.u32 v3, v4  }
0xa5: {  	v4 =	vperm.xlane v3, v0;
	_ =	sdelay $0x1  }
0xa6: {  	v4 =	vadd.s32 v1, v4;
	_ =	sdelay $0x3  }
0xa7: {  	s25 =	simm.s32 $0x18100  }
0xa8: {  	[tilespmem:s25], [sflag:$0x3] =	stream.indirect_vreg.gather [hbm4b:s1+s3], $0x80, v4, vm0, $0xb8;
	[tilespmem:$0x1E100] =	vst v63  }
0xa9: {  	v3 =	vperm.xlane v3, v2;
	s25 =	simm.s32 $0x18900  }
0xaa: {  	[tilespmem:s25], [sflag:$0x3] =	stream.indirect_vreg.gather [hbm4b:s5+s3], $0x80, v4, vm0, $0xb8;
	[tilespmem:$0x1E100] =	vst v63  }
0xab: {  	v3 =	vadd.s32 v1, v3;
	s25 =	simm.s32 $0x19100  }
0xac: {  	[tilespmem:s25], [sflag:$0x3] =	stream.indirect_vreg.gather [hbm4b:s6+s3], $0x80, v4, vm0, $0xb8;
	[tilespmem:$0x1E100] =	vst v63  }
0xad: {  	s25 =	simm.s32 $0x19900  }
0xae: {  	[tilespmem:s25], [sflag:$0x3] =	stream.indirect_vreg.gather [hbm4b:s7+s3], $0x80, v4, vm0, $0xb8;
	[tilespmem:$0x1E100] =	vst v63  }
0xaf: {  	s25 =	simm.s32 $0x1A100  }
0xb0: {  	[tilespmem:s25], [sflag:$0x3] =	stream.indirect_vreg.gather [hbm4b:s1+s3], $0x80, v3, vm0, $0xb8;
	[tilespmem:$0x1E100] =	vst v63  }
0xb1: {  	s25 =	simm.s32 $0x1A900  }
0xb2: {  	[tilespmem:s25], [sflag:$0x3] =	stream.indirect_vreg.gather [hbm4b:s5+s3], $0x80, v3, vm0, $0xb8;
	[tilespmem:$0x1E100] =	vst v63  }
0xb3: {  	s25 =	simm.s32 $0x1B100  }
0xb4: {  	[tilespmem:s25], [sflag:$0x3] =	stream.indirect_vreg.gather [hbm4b:s6+s3], $0x80, v3, vm0, $0xb8;
	[tilespmem:$0x1E100] =	vst v63  }
0xb5: {  	s25 =	simm.s32 $0x1B900  }
0xb6: {  	[tilespmem:s25], [sflag:$0x3] =	stream.indirect_vreg.gather [hbm4b:s7+s3], $0x80, v3, vm0, $0xb8;
	[tilespmem:$0x1E100] =	vst v63  }
0xb7: {  	v3 =	vld.msk [tilespmem:$0x70], $0xff;
	_ =	sdelay $0x4  }
0xb8: {  	v53 =	vshll.u32 v3, $0x3  }
0xb9: {  	v3 =	vand.u32 $0x7, v3;
	v4 =	vand.u32 $0xFFFFFFC0, v53  }
0xba: {  	v3 =	vor.u32 v3, v4  }
0xbb: {  	v3 =	vperm.xlane v3, v0;
	_ =	sdelay $0x1  }
0xbc: {  	v3 =	vadd.s32 v1, v3;
	_ =	sdelay $0x3  }
0xbd: {  	s25 =	simm.s32 $0x1C100  }
0xbe: {  	[tilespmem:s25], [sflag:$0x3] =	stream.indirect_vreg.gather [hbm4b:s1+s3], $0x80, v3, vm0, $0xb8;
	[tilespmem:$0x1E100] =	vst v63  }
0xbf: {  	s25 =	simm.s32 $0x1C900  }
0xc0: {  	[tilespmem:s25], [sflag:$0x3] =	stream.indirect_vreg.gather [hbm4b:s5+s3], $0x80, v3, vm0, $0xb8;
	[tilespmem:$0x1E100] =	vst v63  }
0xc1: {  	s25 =	simm.s32 $0x1D100  }
0xc2: {  	[tilespmem:s25], [sflag:$0x3] =	stream.indirect_vreg.gather [hbm4b:s6+s3], $0x80, v3, vm0, $0xb8;
	[tilespmem:$0x1E100] =	vst v63  }
0xc3: {  	s25 =	simm.s32 $0x1D900  }
0xc4: {  	[tilespmem:s25], [sflag:$0x3] =	stream.indirect_vreg.gather [hbm4b:s7+s3], $0x80, v3, vm0, $0xb8;
	[tilespmem:$0x1E100] =	vst v63  }
0xc5: {  	_ =	swait.ge [sflag:s29], $0xA000  }
0xc6: {  	[sflag:s29] =	ssyncset.done $0x0  }
0xc7: {  	s25 =	rddreg [dreg:$0xb];
	[sflag:s29] =	ssyncadd.s32 $0xFFFF6000  }
0xc8: {  	[hbm4b:s25+s3] =	stream.linear.scatter [tilespmem:s2], [sflag:$0x4], $0xA000, $0x38;
	[tilespmem:$0x1E100] =	vst v63  }
0xc9: {  	_ =	swait.ge [sflag:s30], $0xA000  }
0xca: {  	[sflag:s30] =	ssyncset.done $0x0  }
0xcb: {  	[sflag:s30] =	ssyncadd.s32 $0xFFFF6000  }
0xcc: {  	v3 =	vld [tilespmem:$0x78];
	_ =	sdelay $0x4  }
0xcd: {  	v54 =	vshll.u32 v3, $0x3  }
0xce: {  	v3 =	vand.u32 $0x7, v3;
	v4 =	vand.u32 $0xFFFFFFC0, v54  }
0xcf: {  	v3 =	vor.u32 v3, v4  }
0xd0: {  	v4 =	vperm.xlane v3, v0;
	_ =	sdelay $0x1  }
0xd1: {  	v4 =	vadd.s32 v1, v4;
	_ =	sdelay $0x4  }
0xd2: {  	[tilespmem:s2], [sflag:$0x1] =	stream.indirect_vreg.gather [hbm4b:s1+s3], $0x80, v4, vm0, $0xb8;
	[tilespmem:$0x1E100] =	vst v63  }
0xd3: {  	s25 =	simm.s32 $0x900;
	v3 =	vperm.xlane v3, v2  }
0xd4: {  	[tilespmem:s25], [sflag:$0x1] =	stream.indirect_vreg.gather [hbm4b:s5+s3], $0x80, v4, vm0, $0xb8;
	[tilespmem:$0x1E100] =	vst v63  }
0xd5: {  	v3 =	vadd.s32 v1, v3;
	s25 =	simm.s32 $0x1100  }
0xd6: {  	[tilespmem:s25], [sflag:$0x1] =	stream.indirect_vreg.gather [hbm4b:s6+s3], $0x80, v4, vm0, $0xb8;
	[tilespmem:$0x1E100] =	vst v63  }
0xd7: {  	s25 =	simm.s32 $0x1900  }
0xd8: {  	[tilespmem:s25], [sflag:$0x1] =	stream.indirect_vreg.gather [hbm4b:s7+s3], $0x80, v4, vm0, $0xb8;
	[tilespmem:$0x1E100] =	vst v63  }
0xd9: {  	s25 =	simm.s32 $0x2100  }
0xda: {  	[tilespmem:s25], [sflag:$0x1] =	stream.indirect_vreg.gather [hbm4b:s1+s3], $0x80, v3, vm0, $0xb8;
	[tilespmem:$0x1E100] =	vst v63  }
0xdb: {  	s25 =	simm.s32 $0x2900  }
0xdc: {  	[tilespmem:s25], [sflag:$0x1] =	stream.indirect_vreg.gather [hbm4b:s5+s3], $0x80, v3, vm0, $0xb8;
	[tilespmem:$0x1E100] =	vst v63  }
0xdd: {  	s25 =	simm.s32 $0x3100  }
0xde: {  	[tilespmem:s25], [sflag:$0x1] =	stream.indirect_vreg.gather [hbm4b:s6+s3], $0x80, v3, vm0, $0xb8;
	[tilespmem:$0x1E100] =	vst v63  }
0xdf: {  	s25 =	simm.s32 $0x3900  }
0xe0: {  	[tilespmem:s25], [sflag:$0x1] =	stream.indirect_vreg.gather [hbm4b:s7+s3], $0x80, v3, vm0, $0xb8;
	[tilespmem:$0x1E100] =	vst v63  }
0xe1: {  	v3 =	vld [tilespmem:$0x88];
	_ =	sdelay $0x4  }
0xe2: {  	v55 =	vshll.u32 v3, $0x3  }
0xe3: {  	v3 =	vand.u32 $0x7, v3;
	v4 =	vand.u32 $0xFFFFFFC0, v55  }
0xe4: {  	v3 =	vor.u32 v3, v4  }
0xe5: {  	v4 =	vperm.xlane v3, v0;
	_ =	sdelay $0x1  }
0xe6: {  	v4 =	vadd.s32 v1, v4;
	_ =	sdelay $0x4  }
0xe7: {  	[tilespmem:s20], [sflag:$0x1] =	stream.indirect_vreg.gather [hbm4b:s1+s3], $0x80, v4, vm0, $0xb8;
	[tilespmem:$0x1E100] =	vst v63  }
0xe8: {  	v3 =	vperm.xlane v3, v2  }
0xe9: {  	[tilespmem:s22], [sflag:$0x1] =	stream.indirect_vreg.gather [hbm4b:s5+s3], $0x80, v4, vm0, $0xb8;
	[tilespmem:$0x1E100] =	vst v63  }
0xea: {  	v3 =	vadd.s32 v1, v3  }
0xeb: {  	[tilespmem:s23], [sflag:$0x1] =	stream.indirect_vreg.gather [hbm4b:s6+s3], $0x80, v4, vm0, $0xb8;
	[tilespmem:$0x1E100] =	vst v63  }
0xec: {  	_ = 	snop  }
0xed: {  	[tilespmem:s24], [sflag:$0x1] =	stream.indirect_vreg.gather [hbm4b:s7+s3], $0x80, v4, vm0, $0xb8;
	[tilespmem:$0x1E100] =	vst v63  }
0xee: {  	_ = 	snop  }
0xef: {  	[tilespmem:s4], [sflag:$0x1] =	stream.indirect_vreg.gather [hbm4b:s1+s3], $0x80, v3, vm0, $0xb8;
	[tilespmem:$0x1E100] =	vst v63  }
0xf0: {  	_ = 	snop  }
0xf1: {  	[tilespmem:s26], [sflag:$0x1] =	stream.indirect_vreg.gather [hbm4b:s5+s3], $0x80, v3, vm0, $0xb8;
	[tilespmem:$0x1E100] =	vst v63  }
0xf2: {  	_ = 	snop  }
0xf3: {  	[tilespmem:s28], [sflag:$0x1] =	stream.indirect_vreg.gather [hbm4b:s6+s3], $0x80, v3, vm0, $0xb8;
	[tilespmem:$0x1E100] =	vst v63  }
0xf4: {  	_ = 	snop  }
0xf5: {  	[tilespmem:s9], [sflag:$0x1] =	stream.indirect_vreg.gather [hbm4b:s7+s3], $0x80, v3, vm0, $0xb8;
	[tilespmem:$0x1E100] =	vst v63  }
0xf6: {  	v3 =	vld.msk [tilespmem:$0x98], $0xff;
	_ =	sdelay $0x4  }
0xf7: {  	v56 =	vshll.u32 v3, $0x3  }
0xf8: {  	v3 =	vand.u32 $0x7, v3;
	v4 =	vand.u32 $0xFFFFFFC0, v56  }
0xf9: {  	v3 =	vor.u32 v3, v4  }
0xfa: {  	v3 =	vperm.xlane v3, v0;
	_ =	sdelay $0x1  }
0xfb: {  	v3 =	vadd.s32 v1, v3;
	_ =	sdelay $0x4  }
0xfc: {  	[tilespmem:s11], [sflag:$0x1] =	stream.indirect_vreg.gather [hbm4b:s1+s3], $0x80, v3, vm0, $0xb8;
	[tilespmem:$0x1E100] =	vst v63  }
0xfd: {  	_ = 	snop  }
0xfe: {  	[tilespmem:s21], [sflag:$0x1] =	stream.indirect_vreg.gather [hbm4b:s5+s3], $0x80, v3, vm0, $0xb8;
	[tilespmem:$0x1E100] =	vst v63  }
0xff: {  	_ = 	snop  }
0x100: {  	[tilespmem:s10], [sflag:$0x1] =	stream.indirect_vreg.gather [hbm4b:s6+s3], $0x80, v3, vm0, $0xb8;
	[tilespmem:$0x1E100] =	vst v63  }
0x101: {  	s4 =	simm.s32 $0x2  }
0x102: {  	[tilespmem:s12], [sflag:$0x1] =	stream.indirect_vreg.gather [hbm4b:s7+s3], $0x80, v3, vm0, $0xb8;
	[tilespmem:$0x1E100] =	vst v63  }
0x103: {  	_ =	swait.ge [sflag:s4], $0xA000  }
0x104: {  	s9 =	simm.s32 $0x5;
	[sflag:s4] =	ssyncset.done $0x0  }
0x105: {  	s12 =	simm.s32 $0xA100;
	s11 =	rddreg [dreg:$0x5];
	[sflag:s4] =	ssyncadd.s32 $0xFFFF6000  }
0x106: {  	[hbm4b:s11+s3] =	stream.linear.scatter [tilespmem:s12], [sflag:$0x5], $0xA000, $0x38;
	[tilespmem:$0x1E100] =	vst v63  }
0x107: {  	_ =	swait.ge [sflag:s9], $0xA000  }
0x108: {  	[sflag:s9] =	ssyncset.done $0x0  }
0x109: {  	[sflag:s9] =	ssyncadd.s32 $0xFFFF6000  }
0x10a: {  	v3 =	vld [tilespmem:$0xA0];
	_ =	sdelay $0x4  }
0x10b: {  	v57 =	vshll.u32 v3, $0x3  }
0x10c: {  	v3 =	vand.u32 $0x7, v3;
	v4 =	vand.u32 $0xFFFFFFC0, v57  }
0x10d: {  	v3 =	vor.u32 v3, v4  }
0x10e: {  	v4 =	vperm.xlane v3, v0;
	_ =	sdelay $0x1  }
0x10f: {  	v4 =	vadd.s32 v1, v4;
	_ =	sdelay $0x4  }
0x110: {  	[tilespmem:s12], [sflag:$0x2] =	stream.indirect_vreg.gather [hbm4b:s1+s3], $0x80, v4, vm0, $0xb8;
	[tilespmem:$0x1E100] =	vst v63  }
0x111: {  	v3 =	vperm.xlane v3, v2  }
0x112: {  	[tilespmem:s14], [sflag:$0x2] =	stream.indirect_vreg.gather [hbm4b:s5+s3], $0x80, v4, vm0, $0xb8;
	[tilespmem:$0x1E100] =	vst v63  }
0x113: {  	v3 =	vadd.s32 v1, v3  }
0x114: {  	[tilespmem:s15], [sflag:$0x2] =	stream.indirect_vreg.gather [hbm4b:s6+s3], $0x80, v4, vm0, $0xb8;
	[tilespmem:$0x1E100] =	vst v63  }
0x115: {  	_ = 	snop  }
0x116: {  	[tilespmem:s16], [sflag:$0x2] =	stream.indirect_vreg.gather [hbm4b:s7+s3], $0x80, v4, vm0, $0xb8;
	[tilespmem:$0x1E100] =	vst v63  }
0x117: {  	_ = 	snop  }
0x118: {  	[tilespmem:s17], [sflag:$0x2] =	stream.indirect_vreg.gather [hbm4b:s1+s3], $0x80, v3, vm0, $0xb8;
	[tilespmem:$0x1E100] =	vst v63  }
0x119: {  	_ = 	snop  }
0x11a: {  	[tilespmem:s31], [sflag:$0x2] =	stream.indirect_vreg.gather [hbm4b:s5+s3], $0x80, v3, vm0, $0xb8;
	[tilespmem:$0x1E100] =	vst v63  }
0x11b: {  	s20 =	simm.s32 $0xD100  }
0x11c: {  	[tilespmem:s20], [sflag:$0x2] =	stream.indirect_vreg.gather [hbm4b:s6+s3], $0x80, v3, vm0, $0xb8;
	[tilespmem:$0x1E100] =	vst v63  }
0x11d: {  	_ = 	snop  }
0x11e: {  	[tilespmem:s18], [sflag:$0x2] =	stream.indirect_vreg.gather [hbm4b:s7+s3], $0x80, v3, vm0, $0xb8;
	[tilespmem:$0x1E100] =	vst v63  }
0x11f: {  	v3 =	vld [tilespmem:$0xB0];
	_ =	sdelay $0x4  }
0x120: {  	v58 =	vshll.u32 v3, $0x3  }
0x121: {  	v3 =	vand.u32 $0x7, v3;
	v4 =	vand.u32 $0xFFFFFFC0, v58  }
0x122: {  	v3 =	vor.u32 v3, v4  }
0x123: {  	v4 =	vperm.xlane v3, v0;
	_ =	sdelay $0x1  }
0x124: {  	v4 =	vadd.s32 v1, v4;
	_ =	sdelay $0x4  }
0x125: {  	[tilespmem:s19], [sflag:$0x2] =	stream.indirect_vreg.gather [hbm4b:s1+s3], $0x80, v4, vm0, $0xb8;
	[tilespmem:$0x1E100] =	vst v63  }
0x126: {  	v3 =	vperm.xlane v3, v2  }
0x127: {  	[tilespmem:s13], [sflag:$0x2] =	stream.indirect_vreg.gather [hbm4b:s5+s3], $0x80, v4, vm0, $0xb8;
	[tilespmem:$0x1E100] =	vst v63  }
0x128: {  	s11 =	simm.s32 $0xF100;
	v3 =	vadd.s32 v1, v3  }
0x129: {  	[tilespmem:s11], [sflag:$0x2] =	stream.indirect_vreg.gather [hbm4b:s6+s3], $0x80, v4, vm0, $0xb8;
	[tilespmem:$0x1E100] =	vst v63  }
0x12a: {  	s12 =	simm.s32 $0xF900  }
0x12b: {  	[tilespmem:s12], [sflag:$0x2] =	stream.indirect_vreg.gather [hbm4b:s7+s3], $0x80, v4, vm0, $0xb8;
	[tilespmem:$0x1E100] =	vst v63  }
0x12c: {  	s20 =	simm.s32 $0x10100  }
0x12d: {  	[tilespmem:s20], [sflag:$0x2] =	stream.indirect_vreg.gather [hbm4b:s1+s3], $0x80, v3, vm0, $0xb8;
	[tilespmem:$0x1E100] =	vst v63  }
0x12e: {  	s11 =	simm.s32 $0x10900  }
0x12f: {  	[tilespmem:s11], [sflag:$0x2] =	stream.indirect_vreg.gather [hbm4b:s5+s3], $0x80, v3, vm0, $0xb8;
	[tilespmem:$0x1E100] =	vst v63  }
0x130: {  	s12 =	simm.s32 $0x11100  }
0x131: {  	[tilespmem:s12], [sflag:$0x2] =	stream.indirect_vreg.gather [hbm4b:s6+s3], $0x80, v3, vm0, $0xb8;
	[tilespmem:$0x1E100] =	vst v63  }
0x132: {  	s20 =	simm.s32 $0x11900  }
0x133: {  	[tilespmem:s20], [sflag:$0x2] =	stream.indirect_vreg.gather [hbm4b:s7+s3], $0x80, v3, vm0, $0xb8;
	[tilespmem:$0x1E100] =	vst v63  }
0x134: {  	v3 =	vld.msk [tilespmem:$0xC0], $0xff;
	_ =	sdelay $0x4  }
0x135: {  	v59 =	vshll.u32 v3, $0x3  }
0x136: {  	v3 =	vand.u32 $0x7, v3;
	v4 =	vand.u32 $0xFFFFFFC0, v59  }
0x137: {  	v3 =	vor.u32 v3, v4  }
0x138: {  	v3 =	vperm.xlane v3, v0;
	_ =	sdelay $0x1  }
0x139: {  	v3 =	vadd.s32 v1, v3;
	_ =	sdelay $0x3  }
0x13a: {  	s11 =	simm.s32 $0x12100  }
0x13b: {  	[tilespmem:s11], [sflag:$0x2] =	stream.indirect_vreg.gather [hbm4b:s1+s3], $0x80, v3, vm0, $0xb8;
	[tilespmem:$0x1E100] =	vst v63  }
0x13c: {  	s12 =	simm.s32 $0x12900  }
0x13d: {  	[tilespmem:s12], [sflag:$0x2] =	stream.indirect_vreg.gather [hbm4b:s5+s3], $0x80, v3, vm0, $0xb8;
	[tilespmem:$0x1E100] =	vst v63  }
0x13e: {  	s20 =	simm.s32 $0x13100  }
0x13f: {  	[tilespmem:s20], [sflag:$0x2] =	stream.indirect_vreg.gather [hbm4b:s6+s3], $0x80, v3, vm0, $0xb8;
	[tilespmem:$0x1E100] =	vst v63  }
0x140: {  	s10 =	simm.s32 $0x3;
	s11 =	simm.s32 $0x13900  }
0x141: {  	[tilespmem:s11], [sflag:$0x2] =	stream.indirect_vreg.gather [hbm4b:s7+s3], $0x80, v3, vm0, $0xb8;
	[tilespmem:$0x1E100] =	vst v63  }
0x142: {  	_ =	swait.ge [sflag:s10], $0xA000  }
0x143: {  	[sflag:s10] =	ssyncset.done $0x0  }
0x144: {  	s11 =	simm.s32 $0x6;
	s12 =	rddreg [dreg:$0x6];
	[sflag:s10] =	ssyncadd.s32 $0xFFFF6000  }
0x145: {  	[hbm4b:s12+s3] =	stream.linear.scatter [tilespmem:s0], [sflag:$0x6], $0xA000, $0x38;
	[tilespmem:$0x1E100] =	vst v63  }
0x146: {  	_ =	swait.ge [sflag:s11], $0xA000  }
0x147: {  	[sflag:s11] =	ssyncset.done $0x0  }
0x148: {  	[sflag:s11] =	ssyncadd.s32 $0xFFFF6000  }
0x149: {  	v3 =	vld [tilespmem:$0xC8];
	_ =	sdelay $0x4  }
0x14a: {  	v60 =	vshll.u32 v3, $0x3  }
0x14b: {  	v3 =	vand.u32 $0x7, v3;
	v4 =	vand.u32 $0xFFFFFFC0, v60  }
0x14c: {  	v3 =	vor.u32 v3, v4  }
0x14d: {  	v4 =	vperm.xlane v3, v0;
	_ =	sdelay $0x1  }
0x14e: {  	v4 =	vadd.s32 v1, v4;
	_ =	sdelay $0x4  }
0x14f: {  	[tilespmem:s0], [sflag:$0x3] =	stream.indirect_vreg.gather [hbm4b:s1+s3], $0x80, v4, vm0, $0xb8;
	[tilespmem:$0x1E100] =	vst v63  }
0x150: {  	s20 =	simm.s32 $0x14900;
	v3 =	vperm.xlane v3, v2  }
0x151: {  	[tilespmem:s20], [sflag:$0x3] =	stream.indirect_vreg.gather [hbm4b:s5+s3], $0x80, v4, vm0, $0xb8;
	[tilespmem:$0x1E100] =	vst v63  }
0x152: {  	v3 =	vadd.s32 v1, v3;
	s20 =	simm.s32 $0x15100  }
0x153: {  	[tilespmem:s20], [sflag:$0x3] =	stream.indirect_vreg.gather [hbm4b:s6+s3], $0x80, v4, vm0, $0xb8;
	[tilespmem:$0x1E100] =	vst v63  }
0x154: {  	s20 =	simm.s32 $0x15900  }
0x155: {  	[tilespmem:s20], [sflag:$0x3] =	stream.indirect_vreg.gather [hbm4b:s7+s3], $0x80, v4, vm0, $0xb8;
	[tilespmem:$0x1E100] =	vst v63  }
0x156: {  	s20 =	simm.s32 $0x16100  }
0x157: {  	[tilespmem:s20], [sflag:$0x3] =	stream.indirect_vreg.gather [hbm4b:s1+s3], $0x80, v3, vm0, $0xb8;
	[tilespmem:$0x1E100] =	vst v63  }
0x158: {  	s20 =	simm.s32 $0x16900  }
0x159: {  	[tilespmem:s20], [sflag:$0x3] =	stream.indirect_vreg.gather [hbm4b:s5+s3], $0x80, v3, vm0, $0xb8;
	[tilespmem:$0x1E100] =	vst v63  }
0x15a: {  	s20 =	simm.s32 $0x17100  }
0x15b: {  	[tilespmem:s20], [sflag:$0x3] =	stream.indirect_vreg.gather [hbm4b:s6+s3], $0x80, v3, vm0, $0xb8;
	[tilespmem:$0x1E100] =	vst v63  }
0x15c: {  	s20 =	simm.s32 $0x17900  }
0x15d: {  	[tilespmem:s20], [sflag:$0x3] =	stream.indirect_vreg.gather [hbm4b:s7+s3], $0x80, v3, vm0, $0xb8;
	[tilespmem:$0x1E100] =	vst v63  }
0x15e: {  	v3 =	vld [tilespmem:$0xD8];
	_ =	sdelay $0x4  }
0x15f: {  	v61 =	vshll.u32 v3, $0x3  }
0x160: {  	v3 =	vand.u32 $0x7, v3;
	v4 =	vand.u32 $0xFFFFFFC0, v61  }
0x161: {  	v3 =	vor.u32 v3, v4  }
0x162: {  	v4 =	vperm.xlane v3, v0;
	_ =	sdelay $0x1  }
0x163: {  	v4 =	vadd.s32 v1, v4;
	_ =	sdelay $0x3  }
0x164: {  	s20 =	simm.s32 $0x18100  }
0x165: {  	[tilespmem:s20], [sflag:$0x3] =	stream.indirect_vreg.gather [hbm4b:s1+s3], $0x80, v4, vm0, $0xb8;
	[tilespmem:$0x1E100] =	vst v63  }
0x166: {  	v3 =	vperm.xlane v3, v2;
	s20 =	simm.s32 $0x18900  }
0x167: {  	[tilespmem:s20], [sflag:$0x3] =	stream.indirect_vreg.gather [hbm4b:s5+s3], $0x80, v4, vm0, $0xb8;
	[tilespmem:$0x1E100] =	vst v63  }
0x168: {  	v3 =	vadd.s32 v1, v3;
	s20 =	simm.s32 $0x19100  }
0x169: {  	[tilespmem:s20], [sflag:$0x3] =	stream.indirect_vreg.gather [hbm4b:s6+s3], $0x80, v4, vm0, $0xb8;
	[tilespmem:$0x1E100] =	vst v63  }
0x16a: {  	s20 =	simm.s32 $0x19900  }
0x16b: {  	[tilespmem:s20], [sflag:$0x3] =	stream.indirect_vreg.gather [hbm4b:s7+s3], $0x80, v4, vm0, $0xb8;
	[tilespmem:$0x1E100] =	vst v63  }
0x16c: {  	s20 =	simm.s32 $0x1A100  }
0x16d: {  	[tilespmem:s20], [sflag:$0x3] =	stream.indirect_vreg.gather [hbm4b:s1+s3], $0x80, v3, vm0, $0xb8;
	[tilespmem:$0x1E100] =	vst v63  }
0x16e: {  	s20 =	simm.s32 $0x1A900  }
0x16f: {  	[tilespmem:s20], [sflag:$0x3] =	stream.indirect_vreg.gather [hbm4b:s5+s3], $0x80, v3, vm0, $0xb8;
	[tilespmem:$0x1E100] =	vst v63  }
0x170: {  	s20 =	simm.s32 $0x1B100  }
0x171: {  	[tilespmem:s20], [sflag:$0x3] =	stream.indirect_vreg.gather [hbm4b:s6+s3], $0x80, v3, vm0, $0xb8;
	[tilespmem:$0x1E100] =	vst v63  }
0x172: {  	s20 =	simm.s32 $0x1B900  }
0x173: {  	[tilespmem:s20], [sflag:$0x3] =	stream.indirect_vreg.gather [hbm4b:s7+s3], $0x80, v3, vm0, $0xb8;
	[tilespmem:$0x1E100] =	vst v63  }
0x174: {  	v3 =	vld.msk [tilespmem:$0xE8], $0xff;
	_ =	sdelay $0x4  }
0x175: {  	v62 =	vshll.u32 v3, $0x3  }
0x176: {  	v3 =	vand.u32 $0x7, v3;
	v4 =	vand.u32 $0xFFFFFFC0, v62  }
0x177: {  	v3 =	vor.u32 v3, v4  }
0x178: {  	v3 =	vperm.xlane v3, v0;
	_ =	sdelay $0x1  }
0x179: {  	v3 =	vadd.s32 v1, v3;
	_ =	sdelay $0x3  }
0x17a: {  	s20 =	simm.s32 $0x1C100  }
0x17b: {  	[tilespmem:s20], [sflag:$0x3] =	stream.indirect_vreg.gather [hbm4b:s1+s3], $0x80, v3, vm0, $0xb8;
	[tilespmem:$0x1E100] =	vst v63  }
0x17c: {  	s20 =	simm.s32 $0x1C900  }
0x17d: {  	[tilespmem:s20], [sflag:$0x3] =	stream.indirect_vreg.gather [hbm4b:s5+s3], $0x80, v3, vm0, $0xb8;
	[tilespmem:$0x1E100] =	vst v63  }
0x17e: {  	s20 =	simm.s32 $0x1D100  }
0x17f: {  	[tilespmem:s20], [sflag:$0x3] =	stream.indirect_vreg.gather [hbm4b:s6+s3], $0x80, v3, vm0, $0xb8;
	[tilespmem:$0x1E100] =	vst v63  }
0x180: {  	s20 =	simm.s32 $0x1D900  }
0x181: {  	[tilespmem:s20], [sflag:$0x3] =	stream.indirect_vreg.gather [hbm4b:s7+s3], $0x80, v3, vm0, $0xb8;
	[tilespmem:$0x1E100] =	vst v63  }
0x182: {  	_ =	swait.ge [sflag:s29], $0xA000  }
0x183: {  	[sflag:s29] =	ssyncset.done $0x0  }
0x184: {  	s12 =	rddreg [dreg:$0x7];
	[sflag:s29] =	ssyncadd.s32 $0xFFFF6000  }
0x185: {  	[hbm4b:s12+s3] =	stream.linear.scatter [tilespmem:s2], [sflag:$0x4], $0xA000, $0x38;
	[tilespmem:$0x1E100] =	vst v63  }
0x186: {  	_ =	swait.ge [sflag:s30], $0xA000  }
0x187: {  	[sflag:s30] =	ssyncset.done $0x0  }
0x188: {  	[sflag:s30] =	ssyncadd.s32 $0xFFFF6000  }
0x189: {  	v3 =	vld [tilespmem:$0xF0];
	_ =	sdelay $0x4  }
0x18a: {  	v63 =	vshll.u32 v3, $0x3  }
0x18b: {  	v3 =	vand.u32 $0x7, v3;
	v4 =	vand.u32 $0xFFFFFFC0, v63  }
0x18c: {  	v3 =	vor.u32 v3, v4  }
0x18d: {  	v4 =	vperm.xlane v3, v0;
	_ =	sdelay $0x1  }
0x18e: {  	v4 =	vadd.s32 v1, v4;
	_ =	sdelay $0x4  }
0x18f: {  	[tilespmem:s2], [sflag:$0x1] =	stream.indirect_vreg.gather [hbm4b:s1+s3], $0x80, v4, vm0, $0xb8;
	[tilespmem:$0x1E100] =	vst v63  }
0x190: {  	s20 =	simm.s32 $0x900;
	v3 =	vperm.xlane v3, v2  }
0x191: {  	[tilespmem:s20], [sflag:$0x1] =	stream.indirect_vreg.gather [hbm4b:s5+s3], $0x80, v4, vm0, $0xb8;
	[tilespmem:$0x1E100] =	vst v63  }
0x192: {  	v3 =	vadd.s32 v1, v3;
	s20 =	simm.s32 $0x1100  }
0x193: {  	[tilespmem:s20], [sflag:$0x1] =	stream.indirect_vreg.gather [hbm4b:s6+s3], $0x80, v4, vm0, $0xb8;
	[tilespmem:$0x1E100] =	vst v63  }
0x194: {  	s20 =	simm.s32 $0x1900  }
0x195: {  	[tilespmem:s20], [sflag:$0x1] =	stream.indirect_vreg.gather [hbm4b:s7+s3], $0x80, v4, vm0, $0xb8;
	[tilespmem:$0x1E100] =	vst v63  }
0x196: {  	s20 =	simm.s32 $0x2100  }
0x197: {  	[tilespmem:s20], [sflag:$0x1] =	stream.indirect_vreg.gather [hbm4b:s1+s3], $0x80, v3, vm0, $0xb8;
	[tilespmem:$0x1E100] =	vst v63  }
0x198: {  	s20 =	simm.s32 $0x2900  }
0x199: {  	[tilespmem:s20], [sflag:$0x1] =	stream.indirect_vreg.gather [hbm4b:s5+s3], $0x80, v3, vm0, $0xb8;
	[tilespmem:$0x1E100] =	vst v63  }
0x19a: {  	s20 =	simm.s32 $0x3100  }
0x19b: {  	[tilespmem:s20], [sflag:$0x1] =	stream.indirect_vreg.gather [hbm4b:s6+s3], $0x80, v3, vm0, $0xb8;
	[tilespmem:$0x1E100] =	vst v63  }
0x19c: {  	s25 =	simm.s32 $0x3900  }
0x19d: {  	[tilespmem:s25], [sflag:$0x1] =	stream.indirect_vreg.gather [hbm4b:s7+s3], $0x80, v3, vm0, $0xb8;
	[tilespmem:$0x1E100] =	vst v63  }
0x19e: {  	_ =	swait.ge [sflag:s4], $0xA000  }
0x19f: {  	[sflag:s4] =	ssyncset.done $0x0  }
0x1a0: {  	s21 =	simm.s32 $0xA100;
	s12 =	rddreg [dreg:$0x8];
	[sflag:s4] =	ssyncadd.s32 $0xFFFF6000  }
0x1a1: {  	[hbm4b:s12+s3] =	stream.linear.scatter [tilespmem:s21], [sflag:$0x5], $0xA000, $0x38;
	[tilespmem:$0x1E100] =	vst v63  }
0x1a2: {  	_ =	swait.ge [sflag:s10], $0xA000  }
0x1a3: {  	[sflag:s10] =	ssyncset.done $0x0  }
0x1a4: {  	s21 =	rddreg [dreg:$0x9];
	[sflag:s10] =	ssyncadd.s32 $0xFFFF6000  }
0x1a5: {  	[hbm4b:s21+s3] =	stream.linear.scatter [tilespmem:s0], [sflag:$0x6], $0xA000, $0x38;
	[tilespmem:$0x1E100] =	vst v63  }
0x1a6: {  	_ =	swait.ge [sflag:s29], $0x4000  }
0x1a7: {  	[sflag:s29] =	ssyncset.done $0x0  }
0x1a8: {  	s25 =	rddreg [dreg:$0xa];
	[sflag:s29] =	ssyncadd.s32 $0xFFFFC000  }
0x1a9: {  	[hbm4b:s25+s3] =	stream.linear.scatter [tilespmem:s2], [sflag:$0x4], $0x4000, $0x38;
	[tilespmem:$0x1E100] =	vst v63  }
0x1aa: {  	_ =	swait.ge [sflag:s9], $0xA000  }
0x1ab: {  	[sflag:s9] =	ssyncset.done $0x0  }
0x1ac: {  	[sflag:s9] =	ssyncadd.s32 $0xFFFF6000  }
0x1ad: {  	p0 =	sne.s32 s8, $0x1;
	_ =	swait.ge [sflag:s11], $0xA000  }
.Ltmp0:
0x1ae: {  	[sflag:s11] =	ssyncset.done $0x0;
	(pc) =	sbr.rel @p0 .LBB2_1-.Ltmp0, $4  }
0x1af: {  	[sflag:s11] =	ssyncadd.s32 $0xFFFF6000  }
0x1b0: {  	_ =	swait.ge [sflag:s30], $0x4000  }
0x1b1: {  	[sflag:s30] =	ssyncset.done $0x0  }
0x1b2: {  	s8 =	sadd.s32 $0xFFFFFFFF, s8;
	[sflag:s30] =	ssyncadd.s32 $0xFFFFC000  }
0x1b3: {  	_ =	sfence.sel $0x180000  }
0x1b4: {  	[bflag:$0x0] =	sbarrier.arrive $0xFFFF  }
0x1b5: {  	_ =	strace $0x90000047  }
0x1b6: {  	s0 =	stileid.u32;
	[bflag:$0x2] =	sbarrier.arrive $0xFFFF  }
0x1b7: {  	p0 =	sne.s32 s0, $0x0;
	s0 =	rddreg [dreg:$0x3]  }
0x1b8: {  	s0 =	sadd.s32 @!p0 $0x100000, s0  }
0x1b9: {  	[sflag:s0] =	ssyncadd.tile.s32 @!p0 $0x1;
	_ =	shalt  }
.Lfunc_end2:
_tile_overlayer_lowered:
.L_overlay_start_2:
0x1ba: {  	(tag) =	ssettag $0x2  }
0x1bb: {  	s0 =	rddreg [dreg:$0x0];
	s2 =	stileid.u32  }
0x1bc: {  	s1 =	rddreg [dreg:$0x1];
	p0 =	sne.s32 s2, $0x0  }
0x1bd: {  	s3 =	rddreg [dreg:$0x2];
	[bflag:$0x3] =	sbarrier.arrive $0xFFFF;
	s2 =	simm.s32 @!p0 $0x1C07  }
0x1be: {  	[timem:s3], [sflag:s2] =	dma.local @!p0 [hbm:s0], s1  }
0x1bf: {  	s0 =	simm.s32 @!p0 $0x7  }
0x1c0: {  	_ =	swait.ge @!p0 [sflag:s0], s1  }
0x1c1: {  	s1 =	ssub.s32 @!p0 $0x0, s1;
	[sflag:s0] =	ssyncset.done @!p0 $0x0  }
0x1c2: {  	[sflag:s0] =	ssyncadd.s32 @!p0 s1  }
0x1c3: {  	[bflag:$0x3] =	sbarrier.arrive $0xFFFF  }
0x1c4: {  	_ =	shalt  }

</sc_bundles>
